<compile_context>
chip_gen: v7x
topology: tpu7x:2x2x1
jax: 0.10.2.dev20260603
libtpu: 0.0.44.dev20260713+nightly
codegen_flags: <defaults>
</compile_context>

<pallas_src>
import functools

import jax
import jax.numpy as jnp
from jax import lax
from jax.experimental import pallas as pl
from jax.experimental.pallas import tpu as pltpu
from jax.experimental.pallas import tpu_sc as plsc

TOPK = 2
BLK = 576



def _pack_bf16(x):
    h = x.shape[1] // 2
    a = x[:, :h].astype(jnp.bfloat16).astype(jnp.float32)
    b = x[:, h:].astype(jnp.bfloat16).astype(jnp.float32)
    a32 = lax.bitcast_convert_type(a, jnp.int32)
    b32 = lax.bitcast_convert_type(b, jnp.int32)
    return a32 | lax.shift_right_logical(b32, 16)


def _unpack_bf16(p):
    a32 = p & jnp.int32(-65536)
    b32 = p << 16
    a = lax.bitcast_convert_type(a32, jnp.float32)
    b = lax.bitcast_convert_type(b32, jnp.float32)
    return jnp.concatenate([a, b], axis=1)


def _routing_body(x_ref, gw_ref, p_ref, w_ref, meta_ref, xb_ref, *, T, E, NT):
    x = x_ref[...]
    xb_ref[...] = _pack_bf16(x)
    gw = gw_ref[...]
    logits = lax.dot_general(x, gw, (((1,), (1,)), ((), ())),
                             preferred_element_type=jnp.float32)
    m = jnp.max(logits, axis=1, keepdims=True)
    ex = jnp.exp(logits - m)
    probs = ex / jnp.sum(ex, axis=1, keepdims=True)

    iota_e = lax.broadcasted_iota(jnp.int32, (T, E), 1)
    v0 = jnp.max(probs, axis=1, keepdims=True)
    i0 = jnp.min(jnp.where(probs == v0, iota_e, E), axis=1, keepdims=True)
    sel0 = iota_e == i0
    probs1 = jnp.where(sel0, -1.0, probs)
    v1 = jnp.max(probs1, axis=1, keepdims=True)
    i1 = jnp.min(jnp.where(probs1 == v1, iota_e, E), axis=1, keepdims=True)
    sel1 = iota_e == i1
    s = v0 + v1
    w0 = v0 / s
    w1 = v1 / s

    N = TOPK * T
    A = jnp.concatenate([sel0, sel1], axis=0).astype(jnp.float32)
    At = jnp.transpose(A, (1, 0))
    Ct = At
    sft = 1
    while sft < N:
        Ct = Ct + jnp.concatenate(
            [jnp.zeros((E, sft), jnp.float32), Ct[:, : N - sft]], axis=1)
        sft *= 2
    counts_c = Ct[:, N - 1: N]
    fblk = jnp.float32(BLK)
    pc_c = jnp.floor((counts_c + (fblk - 1.0)) * (1.0 / fblk)) * fblk
    ii = lax.broadcasted_iota(jnp.int32, (E, E), 0)
    ee = lax.broadcasted_iota(jnp.int32, (E, E), 1)
    lower_t = (ee < ii).astype(jnp.float32)
    base_c = lax.dot_general(lower_t, pc_c, (((1,), (0,)), ((), ())))
    slot_t = jnp.sum(At * (Ct - 1.0 + base_c), axis=0, keepdims=True)
    slot_t = slot_t.astype(jnp.int32)
    s0 = jnp.transpose(slot_t[:, :T], (1, 0))
    s1 = jnp.transpose(slot_t[:, T:], (1, 0))

    col = lax.broadcasted_iota(jnp.int32, (T, E), 1)
    p_ref[...] = jnp.where(col == 0, s0, jnp.where(col == 1, s1, 0))
    w_ref[...] = jnp.where(col == 0, w0, jnp.where(col == 1, w1, 0.0))

    base = jnp.transpose(base_c, (1, 0))
    pc = jnp.transpose(pc_c, (1, 0))
    counts = jnp.transpose(counts_c, (1, 0))
    ti = lax.broadcasted_iota(jnp.int32, (NT, E), 0)
    te = lax.broadcasted_iota(jnp.int32, (NT, E), 1)
    row = jnp.float32(BLK) * ti.astype(jnp.float32)
    inside = (row >= base) & (row < base + pc)
    eid = jnp.sum(jnp.where(inside, te, 0), axis=1, keepdims=True)
    nt_used = jnp.sum(pc_c) * (1.0 / fblk)
    tif = ti[:, :1].astype(jnp.float32)
    flag = (tif < nt_used).astype(jnp.int32)
    emax = jnp.max(jnp.where(counts > 0.0, ee[:1, :], 0), axis=1, keepdims=True)
    eid = jnp.where(flag == 1, eid, emax)
    xdi = jnp.minimum(tif, nt_used - 1.0).astype(jnp.int32)
    mcol = lax.broadcasted_iota(jnp.int32, (NT, E), 1)
    meta_ref[...] = jnp.where(
        mcol == 0, eid,
        jnp.where(mcol == 1, flag, jnp.where(mcol == 2, xdi, 0)))


def _routing(x, gate_w, NT):
    T, D = x.shape
    E = gate_w.shape[0]
    body = functools.partial(_routing_body, T=T, E=E, NT=NT)
    return pl.pallas_call(
        body,
        out_shape=(
            jax.ShapeDtypeStruct((T, E), jnp.int32),
            jax.ShapeDtypeStruct((T, E), jnp.float32),
            jax.ShapeDtypeStruct((NT, E), jnp.int32),
            jax.ShapeDtypeStruct((T, D // 2), jnp.int32),
        ),
    )(x, gate_w)


def _sc_dispatch(x, slots, n_rows):
    T, D = x.shape
    N = slots.shape[0]
    info = plsc.get_sparse_core_info()
    NW = info.num_cores * info.num_subcores
    chunk = N // NW
    mesh = plsc.VectorSubcoreMesh(core_axis_name="c", subcore_axis_name="s")

    @functools.partial(
        pl.kernel,
        mesh=mesh,
        out_type=jax.ShapeDtypeStruct((n_rows, D), jnp.int32),
        scratch_types=[
            pltpu.VMEM((chunk,), jnp.int32),
            pltpu.VMEM((chunk, D), jnp.int32),
            pltpu.SemaphoreType.DMA,
        ],
    )
    def k(x_hbm, slots_hbm, out_hbm, idx_v, rows_v, sem):
        wid = lax.axis_index("s") * info.num_cores + lax.axis_index("c")
        jbase = wid * chunk
        tbase = jnp.where(jbase >= T, jbase - T, jbase)
        pltpu.sync_copy(slots_hbm.at[pl.ds(jbase, chunk)], idx_v)
        pltpu.sync_copy(x_hbm.at[pl.ds(tbase, chunk)], rows_v)
        pltpu.async_copy(rows_v, out_hbm.at[idx_v], sem).wait()

    return k(x, slots)


def _sc_combine(y, slots):
    R, D = y.shape
    N = slots.shape[0]
    info = plsc.get_sparse_core_info()
    NW = info.num_cores * info.num_subcores
    chunk = N // NW
    mesh = plsc.VectorSubcoreMesh(core_axis_name="c", subcore_axis_name="s")

    @functools.partial(
        pl.kernel,
        mesh=mesh,
        out_type=jax.ShapeDtypeStruct((N, D), jnp.int32),
        scratch_types=[
            pltpu.VMEM((chunk,), jnp.int32),
            pltpu.VMEM((chunk, D), jnp.int32),
            pltpu.SemaphoreType.DMA,
        ],
    )
    def k(y_hbm, slots_hbm, out_hbm, idx_v, rows_v, sem):
        wid = lax.axis_index("s") * info.num_cores + lax.axis_index("c")
        jbase = wid * chunk
        pltpu.sync_copy(slots_hbm.at[pl.ds(jbase, chunk)], idx_v)
        pltpu.async_copy(y_hbm.at[idx_v], rows_v, sem).wait()
        pltpu.sync_copy(rows_v, out_hbm.at[pl.ds(jbase, chunk)])

    return k(y, slots)


def _ffn_body(eid_ref, flag_ref, xdi_ref, xd_ref, wg_ref, wu_ref, wd_ref,
              y_ref):
    i = pl.program_id(0)

    @pl.when(flag_ref[i] == 1)
    def _():
        xt = _unpack_bf16(xd_ref[...])
        g = jnp.dot(xt, wg_ref[0], preferred_element_type=jnp.float32)
        u = jnp.dot(xt, wu_ref[0], preferred_element_type=jnp.float32)
        h = g * jax.nn.sigmoid(g) * u
        y = jnp.dot(h, wd_ref[0], preferred_element_type=jnp.float32)
        y_ref[...] = _pack_bf16(y)


def _grouped_ffn(eid, flag, xdi, xd, w_gate, w_up, w_down, NT):
    R, Dp = xd.shape
    D = w_gate.shape[1]
    FF = w_gate.shape[2]
    grid_spec = pltpu.PrefetchScalarGridSpec(
        num_scalar_prefetch=3,
        grid=(NT,),
        in_specs=[
            pl.BlockSpec((BLK, Dp), lambda i, e, f, xi: (xi[i], 0)),
            pl.BlockSpec((1, D, FF), lambda i, e, f, xi: (e[i], 0, 0)),
            pl.BlockSpec((1, D, FF), lambda i, e, f, xi: (e[i], 0, 0)),
            pl.BlockSpec((1, FF, D), lambda i, e, f, xi: (e[i], 0, 0)),
        ],
        out_specs=pl.BlockSpec((BLK, Dp), lambda i, e, f, xi: (xi[i], 0)),
    )
    return pl.pallas_call(
        _ffn_body,
        grid_spec=grid_spec,
        out_shape=jax.ShapeDtypeStruct((R, Dp), jnp.int32),
    )(eid, flag, xdi, xd, w_gate, w_up, w_down)


def _final_body(x_ref, y0_ref, y1_ref, w_ref, sg_ref, su_ref, sd_ref,
                segw_ref, o_ref):
    x = x_ref[...]
    g = jnp.dot(x, sg_ref[...], preferred_element_type=jnp.float32)
    u = jnp.dot(x, su_ref[...], preferred_element_type=jnp.float32)
    h = g * jax.nn.sigmoid(g) * u
    sh = jnp.dot(h, sd_ref[...], preferred_element_type=jnp.float32)
    gate = jax.nn.sigmoid(jnp.dot(x, segw_ref[...],
                                  preferred_element_type=jnp.float32))[:, 0:1]
    w0 = w_ref[:, 0:1]
    w1 = w_ref[:, 1:2]
    y0 = _unpack_bf16(y0_ref[...])
    y1 = _unpack_bf16(y1_ref[...])
    o_ref[...] = w0 * y0 + w1 * y1 + gate * sh


def _final(x, y0, y1, wts, s_gate, s_up, s_down, segw_p):
    T, D = x.shape
    FFS = s_gate.shape[1]
    E = wts.shape[1]
    TB = 1024
    return pl.pallas_call(
        _final_body,
        grid=(T // TB,),
        in_specs=[
            pl.BlockSpec((TB, D), lambda i: (i, 0)),
            pl.BlockSpec((TB, D // 2), lambda i: (i, 0)),
            pl.BlockSpec((TB, D // 2), lambda i: (i, 0)),
            pl.BlockSpec((TB, E), lambda i: (i, 0)),
            pl.BlockSpec((D, FFS), lambda i: (0, 0)),
            pl.BlockSpec((D, FFS), lambda i: (0, 0)),
            pl.BlockSpec((FFS, D), lambda i: (0, 0)),
            pl.BlockSpec((D, 128), lambda i: (0, 0)),
        ],
        out_specs=pl.BlockSpec((TB, D), lambda i: (i, 0)),
        out_shape=jax.ShapeDtypeStruct((T, D), jnp.float32),
    )(x, y0, y1, wts, s_gate, s_up, s_down, segw_p)


def kernel(hidden_states, gate_w, w_gate, w_up, w_down, s_gate, s_up, s_down,
           seg_w):
    orig_shape = hidden_states.shape
    D = orig_shape[-1]
    x = hidden_states.reshape(-1, D)
    T = x.shape[0]
    E = w_gate.shape[0]
    NT = (T * TOPK) // BLK + E
    n_rows = NT * BLK

    slots2, wts, meta, xb = _routing(x, gate_w, NT)
    slots = jnp.concatenate([slots2[:, 0], slots2[:, 1]])
    eid = meta[:, 0]
    flag = meta[:, 1]
    xdi = meta[:, 2]

    xd = _sc_dispatch(xb, slots, n_rows)
    y = _grouped_ffn(eid, flag, xdi, xd, w_gate, w_up, w_down, NT)
    yg = _sc_combine(y, slots)
    y0 = yg[:T]
    y1 = yg[T:]

    segw_p = jnp.pad(seg_w, ((0, 0), (0, 128 - seg_w.shape[1])))
    out = _final(x, y0, y1, wts, s_gate, s_up, s_down, segw_p)
    return out.reshape(orig_shape)

# --- scband reference (transcript-rebuilt; emitter-appended) ---
"""Pipeline reference for scband-qwen3-omni-moe-talker-sparse-moe-block-76081050681724 (READ-ONLY COPY).

The authoritative reference and input builder live on the scoring server;
editing this copy changes nothing except your own understanding.
"""

import jax, jax.numpy as jnp
import numpy as np

B, S, D = 1, 2048, 768
E, TOPK, FF, FFS = 8, 2, 768, 2048


def setup_inputs(seed: int = 0) -> dict:
    key = jax.random.key(seed)
    ks = jax.random.split(key, 10)
    sc = 0.02
    return {
        "hidden_states": jax.random.normal(ks[0], (B, S, D), dtype=jnp.float32),
        "gate_w": jax.random.normal(ks[1], (E, D), dtype=jnp.float32) * sc,
        "w_gate": jax.random.normal(ks[2], (E, D, FF), dtype=jnp.float32) * sc,
        "w_up": jax.random.normal(ks[3], (E, D, FF), dtype=jnp.float32) * sc,
        "w_down": jax.random.normal(ks[4], (E, FF, D), dtype=jnp.float32) * sc,
        "s_gate": jax.random.normal(ks[5], (D, FFS), dtype=jnp.float32) * sc,
        "s_up": jax.random.normal(ks[6], (D, FFS), dtype=jnp.float32) * sc,
        "s_down": jax.random.normal(ks[7], (FFS, D), dtype=jnp.float32) * sc,
        "seg_w": jax.random.normal(ks[8], (D, 1), dtype=jnp.float32) * sc,
    }


def reference(hidden_states, gate_w, w_gate, w_up, w_down, s_gate, s_up, s_down, seg_w):
    orig_shape = hidden_states.shape
    d = orig_shape[-1]
    x = hidden_states.reshape(-1, d)
    T = x.shape[0]
    n_exp = w_gate.shape[0]
    # router
    router_logits = x @ gate_w.T  # [T, E]
    probs = jax.nn.softmax(router_logits.astype(jnp.float32), axis=-1)
    topv, topi = jax.lax.top_k(probs, TOPK)
    # renormalize (norm_topk_prob=True)
    topv = topv / jnp.sum(topv, axis=-1, keepdims=True)
    routing_weights = jnp.zeros((T, n_exp), dtype=x.dtype).at[
        jnp.arange(T)[:, None], topi
    ].set(topv.astype(x.dtype))
    # routed experts (dense reference: every token through every expert, masked by routing weight)
    expert_outs = []
    for e in range(n_exp):
        h = jax.nn.silu(x @ w_gate[e]) * (x @ w_up[e])
        expert_outs.append(h @ w_down[e])
    expert_outs = jnp.stack(expert_outs, axis=0)  # [E, T, D]
    routed = jnp.einsum("te,etd->td", routing_weights, expert_outs)
    # shared expert with sigmoid gate
    sh = (jax.nn.silu(x @ s_gate) * (x @ s_up)) @ s_down
    gate_values = jax.nn.sigmoid(x @ seg_w)  # [T, 1]
    shared = gate_values * sh
    final = routed + shared
    return final.reshape(orig_shape)

if __name__ == "__main__":
    import jax
    _d = setup_inputs()
    print(jax.jit(kernel)(*tuple(_d.values())))

</pallas_src>

<mosaic_0001>
#map = affine_map<(d0, d1) -> (0, 0)>
#map1 = affine_map<(d0, d1) -> (0)>
module attributes {stable_mosaic.version = 14 : i64} {
  func.func @k(%arg0: i32, %arg1: i32, %arg2: memref<8640x384xi32, #tpu.memory_space<hbm>>, %arg3: memref<4096xi32, #tpu.memory_space<hbm>>, %arg4: memref<4096x384xi32, #tpu.memory_space<hbm>>, %arg5: memref<128xi32, #tpu.memory_space<vmem>>, %arg6: memref<128x384xi32, #tpu.memory_space<vmem>>, %arg7: memref<!tpu.dma_semaphore, #tpu.memory_space<semaphore_mem>>) attributes {dimension_semantics = [#tpu.dimension_semantics<core_parallel>, #tpu.dimension_semantics<subcore_parallel>], iteration_bounds = array<i64: 2, 16>, scalar_prefetch = 0 : i64, scratch_operands = 3 : i64, tpu.core_type = #tpu.core_type<sc_vector_subcore>, window_params = [{transform_indices = #map}, {transform_indices = #map1}, {transform_indices = #map}]} {
    %mul3A = arith.constant 2 : i32
    %mul3A_0 = arith.muli %arg1, %mul3A : i32
    %add3A = arith.addi %mul3A_0, %arg0 : i32
    %mul3A_1 = arith.constant 128 : i32
    %mul3A_2 = arith.muli %add3A, %mul3A_1 : i32
    "tpu.region"() ({
      %run_scoped3A = tpu.sem_alloc : memref<!tpu.dma_semaphore, #tpu.memory_space<semaphore_mem>>
      %dma_start3A_7 = tpu.memref_slice %arg3[%mul3A_2] : memref<4096xi32, #tpu.memory_space<hbm>> -> memref<128xi32, #tpu.memory_space<hbm>>
      %dma_start3A_8 = tpu.memref_slice %arg3[%mul3A_2] : memref<4096xi32, #tpu.memory_space<hbm>> -> memref<128xi32, #tpu.memory_space<hbm>>
      tpu.enqueue_dma source(%dma_start3A_8 : memref<128xi32, #tpu.memory_space<hbm>>) target(%arg5 : memref<128xi32, #tpu.memory_space<vmem>>) target_semaphore(%run_scoped3A : memref<!tpu.dma_semaphore, #tpu.memory_space<semaphore_mem>>)
      %dma_wait3A_9 = tpu.memref_slice %arg3[%mul3A_2] : memref<4096xi32, #tpu.memory_space<hbm>> -> memref<128xi32, #tpu.memory_space<hbm>>
      %dma_wait3A_10 = tpu.memref_slice %arg3[%mul3A_2] : memref<4096xi32, #tpu.memory_space<hbm>> -> memref<128xi32, #tpu.memory_space<hbm>>
      tpu.wait_dma2 semaphore(%run_scoped3A : memref<!tpu.dma_semaphore, #tpu.memory_space<semaphore_mem>>) src(%dma_wait3A_10 : memref<128xi32, #tpu.memory_space<hbm>>) dst(%arg5 : memref<128xi32, #tpu.memory_space<vmem>>)
      tpu.yield
    }) : () -> ()
    %dma_start3A = arith.constant 0 : i32
    %dma_start3A_3 = arith.constant 0 : i32
    %dma_start3A_4 = tpu.memref_slice %arg2[%dma_start3A, %dma_start3A_3] : memref<8640x384xi32, #tpu.memory_space<hbm>> -> memref<8640x384xi32, #tpu.memory_space<hbm>>
    tpu.enqueue_indirect_dma source(%dma_start3A_4 : memref<8640x384xi32, #tpu.memory_space<hbm>>) target(%arg6 : memref<128x384xi32, #tpu.memory_space<vmem>>) offsets(%arg5 : memref<128xi32, #tpu.memory_space<vmem>>) semaphore(%arg7 : memref<!tpu.dma_semaphore, #tpu.memory_space<semaphore_mem>>)
    %dma_wait3A = arith.constant 0 : i32
    %dma_wait3A_5 = arith.constant 0 : i32
    %dma_wait3A_6 = tpu.memref_slice %arg2[%dma_wait3A, %dma_wait3A_5] : memref<8640x384xi32, #tpu.memory_space<hbm>> -> memref<8640x384xi32, #tpu.memory_space<hbm>>
    tpu.wait_indirect_dma semaphore(%arg7 : memref<!tpu.dma_semaphore, #tpu.memory_space<semaphore_mem>>) src(%dma_wait3A_6 : memref<8640x384xi32, #tpu.memory_space<hbm>>) dst(%arg6 : memref<128x384xi32, #tpu.memory_space<vmem>>)
    "tpu.region"() ({
      %run_scoped3A = tpu.sem_alloc : memref<!tpu.dma_semaphore, #tpu.memory_space<semaphore_mem>>
      %dma_start3A_7 = arith.constant 0 : i32
      %dma_start3A_8 = tpu.memref_slice %arg4[%mul3A_2, %dma_start3A_7] : memref<4096x384xi32, #tpu.memory_space<hbm>> -> memref<128x384xi32, #tpu.memory_space<hbm>>
      %dma_start3A_9 = arith.constant 0 : i32
      %dma_start3A_10 = tpu.memref_slice %arg4[%mul3A_2, %dma_start3A_9] : memref<4096x384xi32, #tpu.memory_space<hbm>> -> memref<128x384xi32, #tpu.memory_space<hbm>>
      tpu.enqueue_dma source(%arg6 : memref<128x384xi32, #tpu.memory_space<vmem>>) target(%dma_start3A_10 : memref<128x384xi32, #tpu.memory_space<hbm>>) target_semaphore(%run_scoped3A : memref<!tpu.dma_semaphore, #tpu.memory_space<semaphore_mem>>)
      %dma_wait3A_11 = arith.constant 0 : i32
      %dma_wait3A_12 = tpu.memref_slice %arg4[%mul3A_2, %dma_wait3A_11] : memref<4096x384xi32, #tpu.memory_space<hbm>> -> memref<128x384xi32, #tpu.memory_space<hbm>>
      %dma_wait3A_13 = arith.constant 0 : i32
      %dma_wait3A_14 = tpu.memref_slice %arg4[%mul3A_2, %dma_wait3A_13] : memref<4096x384xi32, #tpu.memory_space<hbm>> -> memref<128x384xi32, #tpu.memory_space<hbm>>
      tpu.wait_dma2 semaphore(%run_scoped3A : memref<!tpu.dma_semaphore, #tpu.memory_space<semaphore_mem>>) src(%arg6 : memref<128x384xi32, #tpu.memory_space<vmem>>) dst(%dma_wait3A_14 : memref<128x384xi32, #tpu.memory_space<hbm>>)
      tpu.yield
    }) : () -> ()
    return
  }
}

#map = affine_map<(d0, d1) -> (0, 0)>
#map1 = affine_map<(d0, d1) -> (0)>
module attributes {stable_mosaic.version = 14 : i64} {
  func.func @k(%arg0: i32, %arg1: i32, %arg2: memref<2048x384xi32, #tpu.memory_space<hbm>>, %arg3: memref<4096xi32, #tpu.memory_space<hbm>>, %arg4: memref<8640x384xi32, #tpu.memory_space<hbm>>, %arg5: memref<128xi32, #tpu.memory_space<vmem>>, %arg6: memref<128x384xi32, #tpu.memory_space<vmem>>, %arg7: memref<!tpu.dma_semaphore, #tpu.memory_space<semaphore_mem>>) attributes {dimension_semantics = [#tpu.dimension_semantics<core_parallel>, #tpu.dimension_semantics<subcore_parallel>], iteration_bounds = array<i64: 2, 16>, scalar_prefetch = 0 : i64, scratch_operands = 3 : i64, tpu.core_type = #tpu.core_type<sc_vector_subcore>, window_params = [{transform_indices = #map}, {transform_indices = #map1}, {transform_indices = #map}]} {
    %mul3A = arith.constant 2 : i32
    %mul3A_0 = arith.muli %arg1, %mul3A : i32
    %add3A = arith.addi %mul3A_0, %arg0 : i32
    %mul3A_1 = arith.constant 128 : i32
    %mul3A_2 = arith.muli %add3A, %mul3A_1 : i32
    %ge3A = arith.constant 2048 : i32
    %ge3A_3 = arith.cmpi sge, %mul3A_2, %ge3A : i32
    %sub3A = arith.constant 2048 : i32
    %sub3A_4 = arith.subi %mul3A_2, %sub3A : i32
    %select_n3A = arith.select %ge3A_3, %sub3A_4, %mul3A_2 : i32
    "tpu.region"() ({
      %run_scoped3A = tpu.sem_alloc : memref<!tpu.dma_semaphore, #tpu.memory_space<semaphore_mem>>
      %dma_start3A_9 = tpu.memref_slice %arg3[%mul3A_2] : memref<4096xi32, #tpu.memory_space<hbm>> -> memref<128xi32, #tpu.memory_space<hbm>>
      %dma_start3A_10 = tpu.memref_slice %arg3[%mul3A_2] : memref<4096xi32, #tpu.memory_space<hbm>> -> memref<128xi32, #tpu.memory_space<hbm>>
      tpu.enqueue_dma source(%dma_start3A_10 : memref<128xi32, #tpu.memory_space<hbm>>) target(%arg5 : memref<128xi32, #tpu.memory_space<vmem>>) target_semaphore(%run_scoped3A : memref<!tpu.dma_semaphore, #tpu.memory_space<semaphore_mem>>)
      %dma_wait3A_11 = tpu.memref_slice %arg3[%mul3A_2] : memref<4096xi32, #tpu.memory_space<hbm>> -> memref<128xi32, #tpu.memory_space<hbm>>
      %dma_wait3A_12 = tpu.memref_slice %arg3[%mul3A_2] : memref<4096xi32, #tpu.memory_space<hbm>> -> memref<128xi32, #tpu.memory_space<hbm>>
      tpu.wait_dma2 semaphore(%run_scoped3A : memref<!tpu.dma_semaphore, #tpu.memory_space<semaphore_mem>>) src(%dma_wait3A_12 : memref<128xi32, #tpu.memory_space<hbm>>) dst(%arg5 : memref<128xi32, #tpu.memory_space<vmem>>)
      tpu.yield
    }) : () -> ()
    "tpu.region"() ({
      %run_scoped3A = tpu.sem_alloc : memref<!tpu.dma_semaphore, #tpu.memory_space<semaphore_mem>>
      %dma_start3A_9 = arith.constant 0 : i32
      %dma_start3A_10 = tpu.memref_slice %arg2[%select_n3A, %dma_start3A_9] : memref<2048x384xi32, #tpu.memory_space<hbm>> -> memref<128x384xi32, #tpu.memory_space<hbm>>
      %dma_start3A_11 = arith.constant 0 : i32
      %dma_start3A_12 = tpu.memref_slice %arg2[%select_n3A, %dma_start3A_11] : memref<2048x384xi32, #tpu.memory_space<hbm>> -> memref<128x384xi32, #tpu.memory_space<hbm>>
      tpu.enqueue_dma source(%dma_start3A_12 : memref<128x384xi32, #tpu.memory_space<hbm>>) target(%arg6 : memref<128x384xi32, #tpu.memory_space<vmem>>) target_semaphore(%run_scoped3A : memref<!tpu.dma_semaphore, #tpu.memory_space<semaphore_mem>>)
      %dma_wait3A_13 = arith.constant 0 : i32
      %dma_wait3A_14 = tpu.memref_slice %arg2[%select_n3A, %dma_wait3A_13] : memref<2048x384xi32, #tpu.memory_space<hbm>> -> memref<128x384xi32, #tpu.memory_space<hbm>>
      %dma_wait3A_15 = arith.constant 0 : i32
      %dma_wait3A_16 = tpu.memref_slice %arg2[%select_n3A, %dma_wait3A_15] : memref<2048x384xi32, #tpu.memory_space<hbm>> -> memref<128x384xi32, #tpu.memory_space<hbm>>
      tpu.wait_dma2 semaphore(%run_scoped3A : memref<!tpu.dma_semaphore, #tpu.memory_space<semaphore_mem>>) src(%dma_wait3A_16 : memref<128x384xi32, #tpu.memory_space<hbm>>) dst(%arg6 : memref<128x384xi32, #tpu.memory_space<vmem>>)
      tpu.yield
    }) : () -> ()
    %dma_start3A = arith.constant 0 : i32
    %dma_start3A_5 = arith.constant 0 : i32
    %dma_start3A_6 = tpu.memref_slice %arg4[%dma_start3A, %dma_start3A_5] : memref<8640x384xi32, #tpu.memory_space<hbm>> -> memref<8640x384xi32, #tpu.memory_space<hbm>>
    tpu.enqueue_indirect_dma source(%arg6 : memref<128x384xi32, #tpu.memory_space<vmem>>) target(%dma_start3A_6 : memref<8640x384xi32, #tpu.memory_space<hbm>>) offsets(%arg5 : memref<128xi32, #tpu.memory_space<vmem>>) semaphore(%arg7 : memref<!tpu.dma_semaphore, #tpu.memory_space<semaphore_mem>>)
    %dma_wait3A = arith.constant 0 : i32
    %dma_wait3A_7 = arith.constant 0 : i32
    %dma_wait3A_8 = tpu.memref_slice %arg4[%dma_wait3A, %dma_wait3A_7] : memref<8640x384xi32, #tpu.memory_space<hbm>> -> memref<8640x384xi32, #tpu.memory_space<hbm>>
    tpu.wait_indirect_dma semaphore(%arg7 : memref<!tpu.dma_semaphore, #tpu.memory_space<semaphore_mem>>) src(%arg6 : memref<128x384xi32, #tpu.memory_space<vmem>>) dst(%dma_wait3A_8 : memref<8640x384xi32, #tpu.memory_space<hbm>>)
    return
  }
}

module attributes {stable_mosaic.version = 14 : i64} {
  func.func @_ffn_body(%arg0: i32, %arg1: memref<15xi32, #tpu.memory_space<smem>>, %arg2: memref<15xi32, #tpu.memory_space<smem>>, %arg3: memref<15xi32, #tpu.memory_space<smem>>, %arg4: memref<576x384xi32, #tpu.memory_space<vmem>>, %arg5: memref<1x768x768xf32, #tpu.memory_space<vmem>>, %arg6: memref<1x768x768xf32, #tpu.memory_space<vmem>>, %arg7: memref<1x768x768xf32, #tpu.memory_space<vmem>>, %arg8: memref<576x384xi32, #tpu.memory_space<vmem>>) attributes {dimension_semantics = [#tpu.dimension_semantics<arbitrary>], iteration_bounds = array<i64: 15>, scalar_prefetch = 3 : i64, scratch_operands = 0 : i64, tpu.core_type = #tpu.core_type<tc>, window_params = [{transform_indices = @transform_0, window_bounds = array<i64: 576, 384>}, {transform_indices = @transform_1, window_bounds = array<i64: 1, 768, 768>}, {transform_indices = @transform_2, window_bounds = array<i64: 1, 768, 768>}, {transform_indices = @transform_3, window_bounds = array<i64: 1, 768, 768>}, {transform_indices = @transform_4, window_bounds = array<i64: 576, 384>}]} {
    %get3A = arith.index_cast %arg0 : i32 to index
    %get3A_0 = memref.load %arg2[%get3A] : memref<15xi32, #tpu.memory_space<smem>>
    %eq3A = arith.constant 1 : i32
    %eq3A_1 = arith.cmpi eq, %get3A_0, %eq3A : i32
    %convert_element_type3A = arith.extui %eq3A_1 : i1 to i32
    %cond3A = arith.constant 0 : i32
    %cond3A_2 = arith.cmpi ne, %convert_element_type3A, %cond3A : i32
    scf.if %cond3A_2 {
      %get3A_3 = arith.constant 0 : index
      %get3A_4 = arith.constant 0 : index
      %get3A_5 = vector.load %arg4[%get3A_3, %get3A_4] : memref<576x384xi32, #tpu.memory_space<vmem>>, vector<576x384xi32>
      %and3A = arith.constant -65536 : i32
      %and3A_6 = vector.broadcast %and3A : i32 to vector<576x384xi32>
      %and3A_7 = arith.andi %get3A_5, %and3A_6 : vector<576x384xi32>
      %shift_left3A = arith.constant 16 : i32
      %shift_left3A_8 = vector.broadcast %shift_left3A : i32 to vector<576x384xi32>
      %shift_left3A_9 = arith.shli %get3A_5, %shift_left3A_8 : vector<576x384xi32>
      %bitcast_convert_type3A = tpu.bitcast %and3A_7 : vector<576x384xi32> -> vector<576x384xf32>
      %bitcast_convert_type3A_10 = tpu.bitcast %shift_left3A_9 : vector<576x384xi32> -> vector<576x384xf32>
      %concatenate3A = tpu.concatenate %bitcast_convert_type3A, %bitcast_convert_type3A_10 in 1 : vector<576x384xf32>, vector<576x384xf32> -> vector<576x768xf32>
      %get3A_11 = arith.constant 0 : index
      %get3A_12 = arith.constant 0 : index
      %get3A_13 = arith.constant 0 : index
      %get3A_14 = vector.load %arg5[%get3A_11, %get3A_12, %get3A_13] : memref<1x768x768xf32, #tpu.memory_space<vmem>>, vector<1x768x768xf32>
      %get3A_15 = vector.shape_cast %get3A_14 : vector<1x768x768xf32> to vector<768x768xf32>
      %dot_general3A = arith.constant dense<0.000000e+00> : vector<576x768xf32>
      %dot_general3A_16 = tpu.matmul %concatenate3A, %get3A_15, %dot_general3A {dimension_numbers = #tpu.dot_dimension_numbers<[1], [0], [0], [1], [0, 0, 1, 1], [], []>, transpose_lhs_hint = false} : vector<576x768xf32>, vector<768x768xf32>, vector<576x768xf32> -> vector<576x768xf32>
      %get3A_17 = arith.constant 0 : index
      %get3A_18 = arith.constant 0 : index
      %get3A_19 = arith.constant 0 : index
      %get3A_20 = vector.load %arg6[%get3A_17, %get3A_18, %get3A_19] : memref<1x768x768xf32, #tpu.memory_space<vmem>>, vector<1x768x768xf32>
      %get3A_21 = vector.shape_cast %get3A_20 : vector<1x768x768xf32> to vector<768x768xf32>
      %dot_general3A_22 = arith.constant dense<0.000000e+00> : vector<576x768xf32>
      %dot_general3A_23 = tpu.matmul %concatenate3A, %get3A_21, %dot_general3A_22 {dimension_numbers = #tpu.dot_dimension_numbers<[1], [0], [0], [1], [0, 0, 1, 1], [], []>, transpose_lhs_hint = false} : vector<576x768xf32>, vector<768x768xf32>, vector<576x768xf32> -> vector<576x768xf32>
      %logistic3A = arith.negf %dot_general3A_16 : vector<576x768xf32>
      %logistic3A_24 = math.exp %logistic3A : vector<576x768xf32>
      %logistic3A_25 = arith.constant 1.000000e+00 : f32
      %logistic3A_26 = vector.broadcast %logistic3A_25 : f32 to vector<576x768xf32>
      %logistic3A_27 = arith.addf %logistic3A_26, %logistic3A_24 : vector<576x768xf32>
      %logistic3A_28 = arith.divf %logistic3A_26, %logistic3A_27 : vector<576x768xf32>
      %mul3A = arith.mulf %dot_general3A_16, %logistic3A_28 : vector<576x768xf32>
      %mul3A_29 = arith.mulf %mul3A, %dot_general3A_23 : vector<576x768xf32>
      %get3A_30 = arith.constant 0 : index
      %get3A_31 = arith.constant 0 : index
      %get3A_32 = arith.constant 0 : index
      %get3A_33 = vector.load %arg7[%get3A_30, %get3A_31, %get3A_32] : memref<1x768x768xf32, #tpu.memory_space<vmem>>, vector<1x768x768xf32>
      %get3A_34 = vector.shape_cast %get3A_33 : vector<1x768x768xf32> to vector<768x768xf32>
      %dot_general3A_35 = arith.constant dense<0.000000e+00> : vector<576x768xf32>
      %dot_general3A_36 = tpu.matmul %mul3A_29, %get3A_34, %dot_general3A_35 {dimension_numbers = #tpu.dot_dimension_numbers<[1], [0], [0], [1], [0, 0, 1, 1], [], []>, transpose_lhs_hint = false} : vector<576x768xf32>, vector<768x768xf32>, vector<576x768xf32> -> vector<576x768xf32>
      %slice3A = vector.extract_strided_slice %dot_general3A_36 {offsets = [0, 0], sizes = [576, 384], strides = [1, 1]} : vector<576x768xf32> to vector<576x384xf32>
      %convert_element_type3A_37 = arith.truncf %slice3A : vector<576x384xf32> to vector<576x384xbf16>
      %convert_element_type3A_38 = arith.extf %convert_element_type3A_37 : vector<576x384xbf16> to vector<576x384xf32>
      %slice3A_39 = vector.extract_strided_slice %dot_general3A_36 {offsets = [0, 384], sizes = [576, 384], strides = [1, 1]} : vector<576x768xf32> to vector<576x384xf32>
      %convert_element_type3A_40 = arith.truncf %slice3A_39 : vector<576x384xf32> to vector<576x384xbf16>
      %convert_element_type3A_41 = arith.extf %convert_element_type3A_40 : vector<576x384xbf16> to vector<576x384xf32>
      %bitcast_convert_type3A_42 = tpu.bitcast %convert_element_type3A_38 : vector<576x384xf32> -> vector<576x384xi32>
      %bitcast_convert_type3A_43 = tpu.bitcast %convert_element_type3A_41 : vector<576x384xf32> -> vector<576x384xi32>
      %shift_right_logical3A = arith.constant 16 : i32
      %shift_right_logical3A_44 = vector.broadcast %shift_right_logical3A : i32 to vector<576x384xi32>
      %shift_right_logical3A_45 = arith.shrui %bitcast_convert_type3A_43, %shift_right_logical3A_44 : vector<576x384xi32>
      %or3A = arith.ori %bitcast_convert_type3A_42, %shift_right_logical3A_45 : vector<576x384xi32>
      %swap3A = arith.constant 0 : index
      %swap3A_46 = arith.constant 0 : index
      %swap3A_47 = vector.load %arg8[%swap3A, %swap3A_46] : memref<576x384xi32, #tpu.memory_space<vmem>>, vector<576x384xi32>
      tpu.vector_store %arg8[%swap3A, %swap3A_46], %or3A {strides = array<i32>} : memref<576x384xi32, #tpu.memory_space<vmem>>, vector<576x384xi32>,
    } else {
    }
    return
  }
  func.func @transform_0(%arg0: i32, %arg1: memref<15xi32, #tpu.memory_space<smem>>, %arg2: memref<15xi32, #tpu.memory_space<smem>>, %arg3: memref<15xi32, #tpu.memory_space<smem>>) -> (i32, i32) {
    %get3A = arith.index_cast %arg0 : i32 to index
    %get3A_0 = memref.load %arg3[%get3A] : memref<15xi32, #tpu.memory_space<smem>>
    %c0_i32 = arith.constant 0 : i32
    %c0_i32_1 = arith.constant 0 : i32
    return %get3A_0, %c0_i32 : i32, i32
  }
  func.func @transform_1(%arg0: i32, %arg1: memref<15xi32, #tpu.memory_space<smem>>, %arg2: memref<15xi32, #tpu.memory_space<smem>>, %arg3: memref<15xi32, #tpu.memory_space<smem>>) -> (i32, i32, i32) {
    %get3A = arith.index_cast %arg0 : i32 to index
    %get3A_0 = memref.load %arg1[%get3A] : memref<15xi32, #tpu.memory_space<smem>>
    %c0_i32 = arith.constant 0 : i32
    %c0_i32_1 = arith.constant 0 : i32
    %c0_i32_2 = arith.constant 0 : i32
    return %get3A_0, %c0_i32, %c0_i32_1 : i32, i32, i32
  }
  func.func @transform_2(%arg0: i32, %arg1: memref<15xi32, #tpu.memory_space<smem>>, %arg2: memref<15xi32, #tpu.memory_space<smem>>, %arg3: memref<15xi32, #tpu.memory_space<smem>>) -> (i32, i32, i32) {
    %get3A = arith.index_cast %arg0 : i32 to index
    %get3A_0 = memref.load %arg1[%get3A] : memref<15xi32, #tpu.memory_space<smem>>
    %c0_i32 = arith.constant 0 : i32
    %c0_i32_1 = arith.constant 0 : i32
    %c0_i32_2 = arith.constant 0 : i32
    return %get3A_0, %c0_i32, %c0_i32_1 : i32, i32, i32
  }
  func.func @transform_3(%arg0: i32, %arg1: memref<15xi32, #tpu.memory_space<smem>>, %arg2: memref<15xi32, #tpu.memory_space<smem>>, %arg3: memref<15xi32, #tpu.memory_space<smem>>) -> (i32, i32, i32) {
    %get3A = arith.index_cast %arg0 : i32 to index
    %get3A_0 = memref.load %arg1[%get3A] : memref<15xi32, #tpu.memory_space<smem>>
    %c0_i32 = arith.constant 0 : i32
    %c0_i32_1 = arith.constant 0 : i32
    %c0_i32_2 = arith.constant 0 : i32
    return %get3A_0, %c0_i32, %c0_i32_1 : i32, i32, i32
  }
  func.func @transform_4(%arg0: i32, %arg1: memref<15xi32, #tpu.memory_space<smem>>, %arg2: memref<15xi32, #tpu.memory_space<smem>>, %arg3: memref<15xi32, #tpu.memory_space<smem>>) -> (i32, i32) {
    %get3A = arith.index_cast %arg0 : i32 to index
    %get3A_0 = memref.load %arg3[%get3A] : memref<15xi32, #tpu.memory_space<smem>>
    %c0_i32 = arith.constant 0 : i32
    %c0_i32_1 = arith.constant 0 : i32
    return %get3A_0, %c0_i32 : i32, i32
  }
}

module attributes {stable_mosaic.version = 14 : i64} {
  func.func @_routing_body(%arg0: memref<2048x768xf32, #tpu.memory_space<vmem>>, %arg1: memref<8x768xf32, #tpu.memory_space<vmem>>, %arg2: memref<2048x8xi32, #tpu.memory_space<vmem>>, %arg3: memref<2048x8xf32, #tpu.memory_space<vmem>>, %arg4: memref<15x8xi32, #tpu.memory_space<vmem>>, %arg5: memref<2048x384xi32, #tpu.memory_space<vmem>>) attributes {dimension_semantics = [], scalar_prefetch = 0 : i64, scratch_operands = 0 : i64, tpu.core_type = #tpu.core_type<tc>} {
    %get3A = arith.constant 0 : index
    %get3A_0 = arith.constant 0 : index
    %get3A_1 = vector.load %arg0[%get3A, %get3A_0] : memref<2048x768xf32, #tpu.memory_space<vmem>>, vector<2048x768xf32>
    %slice3A = vector.extract_strided_slice %get3A_1 {offsets = [0, 0], sizes = [2048, 384], strides = [1, 1]} : vector<2048x768xf32> to vector<2048x384xf32>
    %convert_element_type3A = arith.truncf %slice3A : vector<2048x384xf32> to vector<2048x384xbf16>
    %convert_element_type3A_2 = arith.extf %convert_element_type3A : vector<2048x384xbf16> to vector<2048x384xf32>
    %slice3A_3 = vector.extract_strided_slice %get3A_1 {offsets = [0, 384], sizes = [2048, 384], strides = [1, 1]} : vector<2048x768xf32> to vector<2048x384xf32>
    %convert_element_type3A_4 = arith.truncf %slice3A_3 : vector<2048x384xf32> to vector<2048x384xbf16>
    %convert_element_type3A_5 = arith.extf %convert_element_type3A_4 : vector<2048x384xbf16> to vector<2048x384xf32>
    %bitcast_convert_type3A = tpu.bitcast %convert_element_type3A_2 : vector<2048x384xf32> -> vector<2048x384xi32>
    %bitcast_convert_type3A_6 = tpu.bitcast %convert_element_type3A_5 : vector<2048x384xf32> -> vector<2048x384xi32>
    %shift_right_logical3A = arith.constant 16 : i32
    %shift_right_logical3A_7 = vector.broadcast %shift_right_logical3A : i32 to vector<2048x384xi32>
    %shift_right_logical3A_8 = arith.shrui %bitcast_convert_type3A_6, %shift_right_logical3A_7 : vector<2048x384xi32>
    %or3A = arith.ori %bitcast_convert_type3A, %shift_right_logical3A_8 : vector<2048x384xi32>
    %swap3A = arith.constant 0 : index
    %swap3A_9 = arith.constant 0 : index
    %swap3A_10 = vector.load %arg5[%swap3A, %swap3A_9] : memref<2048x384xi32, #tpu.memory_space<vmem>>, vector<2048x384xi32>
    tpu.vector_store %arg5[%swap3A, %swap3A_9], %or3A {strides = array<i32>} : memref<2048x384xi32, #tpu.memory_space<vmem>>, vector<2048x384xi32>,
    %get3A_11 = arith.constant 0 : index
    %get3A_12 = arith.constant 0 : index
    %get3A_13 = vector.load %arg1[%get3A_11, %get3A_12] : memref<8x768xf32, #tpu.memory_space<vmem>>, vector<8x768xf32>
    %dot_general3A = arith.constant dense<0.000000e+00> : vector<2048x8xf32>
    %dot_general3A_14 = tpu.matmul %get3A_1, %get3A_13, %dot_general3A {dimension_numbers = #tpu.dot_dimension_numbers<[1], [1], [0], [0], [0, 0, 1, 0], [], []>, transpose_lhs_hint = false} : vector<2048x768xf32>, vector<8x768xf32>, vector<2048x8xf32> -> vector<2048x8xf32>
    %reduce_max3A = arith.constant dense<0xFF800000> : vector<2048xf32>
    %reduce_max3A_15 = vector.multi_reduction <maximumf>, %dot_general3A_14, %reduce_max3A [1] : vector<2048x8xf32> to vector<2048xf32>
    %broadcast_in_dim3A = vector.shape_cast %reduce_max3A_15 : vector<2048xf32> to vector<2048x1xf32>
    %sub3A = vector.broadcast %broadcast_in_dim3A : vector<2048x1xf32> to vector<2048x8xf32>
    %sub3A_16 = arith.subf %dot_general3A_14, %sub3A : vector<2048x8xf32>
    %exp3A = math.exp %sub3A_16 : vector<2048x8xf32>
    %reduce_sum3A = arith.constant dense<0.000000e+00> : vector<2048xf32>
    %reduce_sum3A_17 = vector.multi_reduction <add>, %exp3A, %reduce_sum3A [1] : vector<2048x8xf32> to vector<2048xf32>
    %broadcast_in_dim3A_18 = vector.shape_cast %reduce_sum3A_17 : vector<2048xf32> to vector<2048x1xf32>
    %div3A = vector.broadcast %broadcast_in_dim3A_18 : vector<2048x1xf32> to vector<2048x8xf32>
    %div3A_19 = arith.divf %exp3A, %div3A : vector<2048x8xf32>
    %iota3A = tpu.iota {dimensions = array<i32: 1>} : vector<2048x8xi32>
    %reduce_max3A_20 = arith.constant dense<0xFF800000> : vector<2048xf32>
    %reduce_max3A_21 = vector.multi_reduction <maximumf>, %div3A_19, %reduce_max3A_20 [1] : vector<2048x8xf32> to vector<2048xf32>
    %broadcast_in_dim3A_22 = vector.shape_cast %reduce_max3A_21 : vector<2048xf32> to vector<2048x1xf32>
    %eq3A = vector.broadcast %broadcast_in_dim3A_22 : vector<2048x1xf32> to vector<2048x8xf32>
    %eq3A_23 = arith.cmpf oeq, %div3A_19, %eq3A : vector<2048x8xf32>
    %jit3A = arith.constant 8 : i32
    %broadcast_in_dim3A_24 = vector.broadcast %jit3A : i32 to vector<2048x8xi32>
    %select_n3A = arith.select %eq3A_23, %iota3A, %broadcast_in_dim3A_24 : vector<2048x8xi1>, vector<2048x8xi32>
    %reduce_min3A = arith.constant dense<2147483647> : vector<2048xi32>
    %reduce_min3A_25 = vector.multi_reduction <minsi>, %select_n3A, %reduce_min3A [1] : vector<2048x8xi32> to vector<2048xi32>
    %broadcast_in_dim3A_26 = vector.shape_cast %reduce_min3A_25 : vector<2048xi32> to vector<2048x1xi32>
    %eq3A_27 = vector.broadcast %broadcast_in_dim3A_26 : vector<2048x1xi32> to vector<2048x8xi32>
    %eq3A_28 = arith.cmpi eq, %iota3A, %eq3A_27 : vector<2048x8xi32>
    %jit3A_29 = arith.constant -1.000000e+00 : f32
    %broadcast_in_dim3A_30 = vector.broadcast %jit3A_29 : f32 to vector<2048x8xf32>
    %select_n3A_31 = arith.select %eq3A_28, %broadcast_in_dim3A_30, %div3A_19 : vector<2048x8xi1>, vector<2048x8xf32>
    %reduce_max3A_32 = arith.constant dense<0xFF800000> : vector<2048xf32>
    %reduce_max3A_33 = vector.multi_reduction <maximumf>, %select_n3A_31, %reduce_max3A_32 [1] : vector<2048x8xf32> to vector<2048xf32>
    %broadcast_in_dim3A_34 = vector.shape_cast %reduce_max3A_33 : vector<2048xf32> to vector<2048x1xf32>
    %eq3A_35 = vector.broadcast %broadcast_in_dim3A_34 : vector<2048x1xf32> to vector<2048x8xf32>
    %eq3A_36 = arith.cmpf oeq, %select_n3A_31, %eq3A_35 : vector<2048x8xf32>
    %jit3A_37 = arith.constant 8 : i32
    %broadcast_in_dim3A_38 = vector.broadcast %jit3A_37 : i32 to vector<2048x8xi32>
    %select_n3A_39 = arith.select %eq3A_36, %iota3A, %broadcast_in_dim3A_38 : vector<2048x8xi1>, vector<2048x8xi32>
    %reduce_min3A_40 = arith.constant dense<2147483647> : vector<2048xi32>
    %reduce_min3A_41 = vector.multi_reduction <minsi>, %select_n3A_39, %reduce_min3A_40 [1] : vector<2048x8xi32> to vector<2048xi32>
    %broadcast_in_dim3A_42 = vector.shape_cast %reduce_min3A_41 : vector<2048xi32> to vector<2048x1xi32>
    %eq3A_43 = vector.broadcast %broadcast_in_dim3A_42 : vector<2048x1xi32> to vector<2048x8xi32>
    %eq3A_44 = arith.cmpi eq, %iota3A, %eq3A_43 : vector<2048x8xi32>
    %add3A = arith.addf %broadcast_in_dim3A_22, %broadcast_in_dim3A_34 : vector<2048x1xf32>
    %div3A_45 = arith.divf %broadcast_in_dim3A_22, %add3A : vector<2048x1xf32>
    %div3A_46 = arith.divf %broadcast_in_dim3A_34, %add3A : vector<2048x1xf32>
    %concatenate3A = tpu.concatenate %eq3A_28, %eq3A_44 in 0 : vector<2048x8xi1>, vector<2048x8xi1> -> vector<4096x8xi1>
    %convert_element_type3A_47 = arith.extui %concatenate3A : vector<4096x8xi1> to vector<4096x8xi32>
    %convert_element_type3A_48 = arith.sitofp %convert_element_type3A_47 : vector<4096x8xi32> to vector<4096x8xf32>
    %transpose3A = tpu.transpose %convert_element_type3A_48, [1, 0] : vector<4096x8xf32> -> vector<8x4096xf32>
    %broadcast_in_dim3A_49 = arith.constant 0.000000e+00 : f32
    %broadcast_in_dim3A_50 = vector.broadcast %broadcast_in_dim3A_49 : f32 to vector<8x1xf32>
    %slice3A_51 = vector.extract_strided_slice %transpose3A {offsets = [0, 0], sizes = [8, 4095], strides = [1, 1]} : vector<8x4096xf32> to vector<8x4095xf32>
    %concatenate3A_52 = tpu.concatenate %broadcast_in_dim3A_50, %slice3A_51 in 1 : vector<8x1xf32>, vector<8x4095xf32> -> vector<8x4096xf32>
    %add3A_53 = arith.addf %transpose3A, %concatenate3A_52 : vector<8x4096xf32>
    %broadcast_in_dim3A_54 = arith.constant 0.000000e+00 : f32
    %broadcast_in_dim3A_55 = vector.broadcast %broadcast_in_dim3A_54 : f32 to vector<8x2xf32>
    %slice3A_56 = vector.extract_strided_slice %add3A_53 {offsets = [0, 0], sizes = [8, 4094], strides = [1, 1]} : vector<8x4096xf32> to vector<8x4094xf32>
    %concatenate3A_57 = tpu.concatenate %broadcast_in_dim3A_55, %slice3A_56 in 1 : vector<8x2xf32>, vector<8x4094xf32> -> vector<8x4096xf32>
    %add3A_58 = arith.addf %add3A_53, %concatenate3A_57 : vector<8x4096xf32>
    %broadcast_in_dim3A_59 = arith.constant 0.000000e+00 : f32
    %broadcast_in_dim3A_60 = vector.broadcast %broadcast_in_dim3A_59 : f32 to vector<8x4xf32>
    %slice3A_61 = vector.extract_strided_slice %add3A_58 {offsets = [0, 0], sizes = [8, 4092], strides = [1, 1]} : vector<8x4096xf32> to vector<8x4092xf32>
    %concatenate3A_62 = tpu.concatenate %broadcast_in_dim3A_60, %slice3A_61 in 1 : vector<8x4xf32>, vector<8x4092xf32> -> vector<8x4096xf32>
    %add3A_63 = arith.addf %add3A_58, %concatenate3A_62 : vector<8x4096xf32>
    %broadcast_in_dim3A_64 = arith.constant 0.000000e+00 : f32
    %broadcast_in_dim3A_65 = vector.broadcast %broadcast_in_dim3A_64 : f32 to vector<8x8xf32>
    %slice3A_66 = vector.extract_strided_slice %add3A_63 {offsets = [0, 0], sizes = [8, 4088], strides = [1, 1]} : vector<8x4096xf32> to vector<8x4088xf32>
    %concatenate3A_67 = tpu.concatenate %broadcast_in_dim3A_65, %slice3A_66 in 1 : vector<8x8xf32>, vector<8x4088xf32> -> vector<8x4096xf32>
    %add3A_68 = arith.addf %add3A_63, %concatenate3A_67 : vector<8x4096xf32>
    %broadcast_in_dim3A_69 = arith.constant 0.000000e+00 : f32
    %broadcast_in_dim3A_70 = vector.broadcast %broadcast_in_dim3A_69 : f32 to vector<8x16xf32>
    %slice3A_71 = vector.extract_strided_slice %add3A_68 {offsets = [0, 0], sizes = [8, 4080], strides = [1, 1]} : vector<8x4096xf32> to vector<8x4080xf32>
    %concatenate3A_72 = tpu.concatenate %broadcast_in_dim3A_70, %slice3A_71 in 1 : vector<8x16xf32>, vector<8x4080xf32> -> vector<8x4096xf32>
    %add3A_73 = arith.addf %add3A_68, %concatenate3A_72 : vector<8x4096xf32>
    %broadcast_in_dim3A_74 = arith.constant 0.000000e+00 : f32
    %broadcast_in_dim3A_75 = vector.broadcast %broadcast_in_dim3A_74 : f32 to vector<8x32xf32>
    %slice3A_76 = vector.extract_strided_slice %add3A_73 {offsets = [0, 0], sizes = [8, 4064], strides = [1, 1]} : vector<8x4096xf32> to vector<8x4064xf32>
    %concatenate3A_77 = tpu.concatenate %broadcast_in_dim3A_75, %slice3A_76 in 1 : vector<8x32xf32>, vector<8x4064xf32> -> vector<8x4096xf32>
    %add3A_78 = arith.addf %add3A_73, %concatenate3A_77 : vector<8x4096xf32>
    %broadcast_in_dim3A_79 = arith.constant 0.000000e+00 : f32
    %broadcast_in_dim3A_80 = vector.broadcast %broadcast_in_dim3A_79 : f32 to vector<8x64xf32>
    %slice3A_81 = vector.extract_strided_slice %add3A_78 {offsets = [0, 0], sizes = [8, 4032], strides = [1, 1]} : vector<8x4096xf32> to vector<8x4032xf32>
    %concatenate3A_82 = tpu.concatenate %broadcast_in_dim3A_80, %slice3A_81 in 1 : vector<8x64xf32>, vector<8x4032xf32> -> vector<8x4096xf32>
    %add3A_83 = arith.addf %add3A_78, %concatenate3A_82 : vector<8x4096xf32>
    %broadcast_in_dim3A_84 = arith.constant 0.000000e+00 : f32
    %broadcast_in_dim3A_85 = vector.broadcast %broadcast_in_dim3A_84 : f32 to vector<8x128xf32>
    %slice3A_86 = vector.extract_strided_slice %add3A_83 {offsets = [0, 0], sizes = [8, 3968], strides = [1, 1]} : vector<8x4096xf32> to vector<8x3968xf32>
    %concatenate3A_87 = tpu.concatenate %broadcast_in_dim3A_85, %slice3A_86 in 1 : vector<8x128xf32>, vector<8x3968xf32> -> vector<8x4096xf32>
    %add3A_88 = arith.addf %add3A_83, %concatenate3A_87 : vector<8x4096xf32>
    %broadcast_in_dim3A_89 = arith.constant 0.000000e+00 : f32
    %broadcast_in_dim3A_90 = vector.broadcast %broadcast_in_dim3A_89 : f32 to vector<8x256xf32>
    %slice3A_91 = vector.extract_strided_slice %add3A_88 {offsets = [0, 0], sizes = [8, 3840], strides = [1, 1]} : vector<8x4096xf32> to vector<8x3840xf32>
    %concatenate3A_92 = tpu.concatenate %broadcast_in_dim3A_90, %slice3A_91 in 1 : vector<8x256xf32>, vector<8x3840xf32> -> vector<8x4096xf32>
    %add3A_93 = arith.addf %add3A_88, %concatenate3A_92 : vector<8x4096xf32>
    %broadcast_in_dim3A_94 = arith.constant 0.000000e+00 : f32
    %broadcast_in_dim3A_95 = vector.broadcast %broadcast_in_dim3A_94 : f32 to vector<8x512xf32>
    %slice3A_96 = vector.extract_strided_slice %add3A_93 {offsets = [0, 0], sizes = [8, 3584], strides = [1, 1]} : vector<8x4096xf32> to vector<8x3584xf32>
    %concatenate3A_97 = tpu.concatenate %broadcast_in_dim3A_95, %slice3A_96 in 1 : vector<8x512xf32>, vector<8x3584xf32> -> vector<8x4096xf32>
    %add3A_98 = arith.addf %add3A_93, %concatenate3A_97 : vector<8x4096xf32>
    %broadcast_in_dim3A_99 = arith.constant 0.000000e+00 : f32
    %broadcast_in_dim3A_100 = vector.broadcast %broadcast_in_dim3A_99 : f32 to vector<8x1024xf32>
    %slice3A_101 = vector.extract_strided_slice %add3A_98 {offsets = [0, 0], sizes = [8, 3072], strides = [1, 1]} : vector<8x4096xf32> to vector<8x3072xf32>
    %concatenate3A_102 = tpu.concatenate %broadcast_in_dim3A_100, %slice3A_101 in 1 : vector<8x1024xf32>, vector<8x3072xf32> -> vector<8x4096xf32>
    %add3A_103 = arith.addf %add3A_98, %concatenate3A_102 : vector<8x4096xf32>
    %broadcast_in_dim3A_104 = arith.constant 0.000000e+00 : f32
    %broadcast_in_dim3A_105 = vector.broadcast %broadcast_in_dim3A_104 : f32 to vector<8x2048xf32>
    %slice3A_106 = vector.extract_strided_slice %add3A_103 {offsets = [0, 0], sizes = [8, 2048], strides = [1, 1]} : vector<8x4096xf32> to vector<8x2048xf32>
    %concatenate3A_107 = tpu.concatenate %broadcast_in_dim3A_105, %slice3A_106 in 1 : vector<8x2048xf32>, vector<8x2048xf32> -> vector<8x4096xf32>
    %add3A_108 = arith.addf %add3A_103, %concatenate3A_107 : vector<8x4096xf32>
    %slice3A_109 = vector.extract_strided_slice %add3A_108 {offsets = [0, 4095], sizes = [8, 1], strides = [1, 1]} : vector<8x4096xf32> to vector<8x1xf32>
    %sub3A_110 = arith.constant 5.760000e+02 : f32
    %sub3A_111 = arith.constant 1.000000e+00 : f32
    %sub3A_112 = arith.subf %sub3A_110, %sub3A_111 : f32
    %add3A_113 = vector.broadcast %sub3A_112 : f32 to vector<8x1xf32>
    %add3A_114 = arith.addf %slice3A_109, %add3A_113 : vector<8x1xf32>
    %div3A_115 = arith.constant 1.000000e+00 : f32
    %div3A_116 = arith.constant 5.760000e+02 : f32
    %div3A_117 = arith.divf %div3A_115, %div3A_116 : f32
    %mul3A = vector.broadcast %div3A_117 : f32 to vector<8x1xf32>
    %mul3A_118 = arith.mulf %add3A_114, %mul3A : vector<8x1xf32>
    %floor3A = math.floor %mul3A_118 : vector<8x1xf32>
    %mul3A_119 = arith.constant 5.760000e+02 : f32
    %mul3A_120 = vector.broadcast %mul3A_119 : f32 to vector<8x1xf32>
    %mul3A_121 = arith.mulf %floor3A, %mul3A_120 : vector<8x1xf32>
    %iota3A_122 = tpu.iota {dimensions = array<i32: 0>} : vector<8x8xi32>
    %iota3A_123 = tpu.iota {dimensions = array<i32: 1>} : vector<8x8xi32>
    %lt3A = arith.cmpi slt, %iota3A_123, %iota3A_122 : vector<8x8xi32>
    %convert_element_type3A_124 = arith.extui %lt3A : vector<8x8xi1> to vector<8x8xi32>
    %convert_element_type3A_125 = arith.sitofp %convert_element_type3A_124 : vector<8x8xi32> to vector<8x8xf32>
    %dot_general3A_126 = arith.constant dense<0.000000e+00> : vector<8x1xf32>
    %dot_general3A_127 = tpu.matmul %convert_element_type3A_125, %mul3A_121, %dot_general3A_126 {dimension_numbers = #tpu.dot_dimension_numbers<[1], [0], [0], [1], [0, 0, 1, 1], [], []>, transpose_lhs_hint = false} : vector<8x8xf32>, vector<8x1xf32>, vector<8x1xf32> -> vector<8x1xf32>
    %sub3A_128 = arith.constant 1.000000e+00 : f32
    %sub3A_129 = vector.broadcast %sub3A_128 : f32 to vector<8x4096xf32>
    %sub3A_130 = arith.subf %add3A_108, %sub3A_129 : vector<8x4096xf32>
    %add3A_131 = vector.broadcast %dot_general3A_127 : vector<8x1xf32> to vector<8x4096xf32>
    %add3A_132 = arith.addf %sub3A_130, %add3A_131 : vector<8x4096xf32>
    %mul3A_133 = arith.mulf %transpose3A, %add3A_132 : vector<8x4096xf32>
    %reduce_sum3A_134 = arith.constant dense<0.000000e+00> : vector<4096xf32>
    %reduce_sum3A_135 = vector.multi_reduction <add>, %mul3A_133, %reduce_sum3A_134 [0] : vector<8x4096xf32> to vector<4096xf32>
    %broadcast_in_dim3A_136 = vector.shape_cast %reduce_sum3A_135 : vector<4096xf32> to vector<1x4096xf32>
    %convert_element_type3A_137 = arith.fptosi %broadcast_in_dim3A_136 : vector<1x4096xf32> to vector<1x4096xi32>
    %slice3A_138 = vector.extract_strided_slice %convert_element_type3A_137 {offsets = [0, 0], sizes = [1, 2048], strides = [1, 1]} : vector<1x4096xi32> to vector<1x2048xi32>
    %transpose3A_139 = tpu.transpose %slice3A_138, [1, 0] : vector<1x2048xi32> -> vector<2048x1xi32>
    %slice3A_140 = vector.extract_strided_slice %convert_element_type3A_137 {offsets = [0, 2048], sizes = [1, 2048], strides = [1, 1]} : vector<1x4096xi32> to vector<1x2048xi32>
    %transpose3A_141 = tpu.transpose %slice3A_140, [1, 0] : vector<1x2048xi32> -> vector<2048x1xi32>
    %iota3A_142 = tpu.iota {dimensions = array<i32: 1>} : vector<2048x8xi32>
    %eq3A_143 = arith.constant 0 : i32
    %eq3A_144 = vector.broadcast %eq3A_143 : i32 to vector<2048x8xi32>
    %eq3A_145 = arith.cmpi eq, %iota3A_142, %eq3A_144 : vector<2048x8xi32>
    %eq3A_146 = arith.constant 1 : i32
    %eq3A_147 = vector.broadcast %eq3A_146 : i32 to vector<2048x8xi32>
    %eq3A_148 = arith.cmpi eq, %iota3A_142, %eq3A_147 : vector<2048x8xi32>
    %jit3A_149 = arith.constant 0 : i32
    %broadcast_in_dim3A_150 = vector.shape_cast %transpose3A_141 : vector<2048x1xi32> to vector<2048x1xi32>
    %broadcast_in_dim3A_151 = vector.broadcast %broadcast_in_dim3A_150 : vector<2048x1xi32> to vector<2048x8xi32>
    %broadcast_in_dim3A_152 = vector.broadcast %jit3A_149 : i32 to vector<2048x8xi32>
    %select_n3A_153 = arith.select %eq3A_148, %broadcast_in_dim3A_151, %broadcast_in_dim3A_152 : vector<2048x8xi1>, vector<2048x8xi32>
    %broadcast_in_dim3A_154 = vector.shape_cast %transpose3A_139 : vector<2048x1xi32> to vector<2048x1xi32>
    %broadcast_in_dim3A_155 = vector.broadcast %broadcast_in_dim3A_154 : vector<2048x1xi32> to vector<2048x8xi32>
    %select_n3A_156 = arith.select %eq3A_145, %broadcast_in_dim3A_155, %select_n3A_153 : vector<2048x8xi1>, vector<2048x8xi32>
    %swap3A_157 = arith.constant 0 : index
    %swap3A_158 = arith.constant 0 : index
    %swap3A_159 = vector.load %arg2[%swap3A_157, %swap3A_158] : memref<2048x8xi32, #tpu.memory_space<vmem>>, vector<2048x8xi32>
    tpu.vector_store %arg2[%swap3A_157, %swap3A_158], %select_n3A_156 {strides = array<i32>} : memref<2048x8xi32, #tpu.memory_space<vmem>>, vector<2048x8xi32>,
    %eq3A_160 = arith.constant 0 : i32
    %eq3A_161 = vector.broadcast %eq3A_160 : i32 to vector<2048x8xi32>
    %eq3A_162 = arith.cmpi eq, %iota3A_142, %eq3A_161 : vector<2048x8xi32>
    %eq3A_163 = arith.constant 1 : i32
    %eq3A_164 = vector.broadcast %eq3A_163 : i32 to vector<2048x8xi32>
    %eq3A_165 = arith.cmpi eq, %iota3A_142, %eq3A_164 : vector<2048x8xi32>
    %jit3A_166 = arith.constant 0.000000e+00 : f32
    %broadcast_in_dim3A_167 = vector.shape_cast %div3A_46 : vector<2048x1xf32> to vector<2048x1xf32>
    %broadcast_in_dim3A_168 = vector.broadcast %broadcast_in_dim3A_167 : vector<2048x1xf32> to vector<2048x8xf32>
    %broadcast_in_dim3A_169 = vector.broadcast %jit3A_166 : f32 to vector<2048x8xf32>
    %select_n3A_170 = arith.select %eq3A_165, %broadcast_in_dim3A_168, %broadcast_in_dim3A_169 : vector<2048x8xi1>, vector<2048x8xf32>
    %broadcast_in_dim3A_171 = vector.shape_cast %div3A_45 : vector<2048x1xf32> to vector<2048x1xf32>
    %broadcast_in_dim3A_172 = vector.broadcast %broadcast_in_dim3A_171 : vector<2048x1xf32> to vector<2048x8xf32>
    %select_n3A_173 = arith.select %eq3A_162, %broadcast_in_dim3A_172, %select_n3A_170 : vector<2048x8xi1>, vector<2048x8xf32>
    %swap3A_174 = arith.constant 0 : index
    %swap3A_175 = arith.constant 0 : index
    %swap3A_176 = vector.load %arg3[%swap3A_174, %swap3A_175] : memref<2048x8xf32, #tpu.memory_space<vmem>>, vector<2048x8xf32>
    tpu.vector_store %arg3[%swap3A_174, %swap3A_175], %select_n3A_173 {strides = array<i32>} : memref<2048x8xf32, #tpu.memory_space<vmem>>, vector<2048x8xf32>,
    %transpose3A_177 = tpu.transpose %dot_general3A_127, [1, 0] : vector<8x1xf32> -> vector<1x8xf32>
    %transpose3A_178 = tpu.transpose %mul3A_121, [1, 0] : vector<8x1xf32> -> vector<1x8xf32>
    %transpose3A_179 = tpu.transpose %slice3A_109, [1, 0] : vector<8x1xf32> -> vector<1x8xf32>
    %iota3A_180 = tpu.iota {dimensions = array<i32: 0>} : vector<15x8xi32>
    %iota3A_181 = tpu.iota {dimensions = array<i32: 1>} : vector<15x8xi32>
    %convert_element_type3A_182 = arith.sitofp %iota3A_180 : vector<15x8xi32> to vector<15x8xf32>
    %mul3A_183 = arith.constant 5.760000e+02 : f32
    %mul3A_184 = vector.broadcast %mul3A_183 : f32 to vector<15x8xf32>
    %mul3A_185 = arith.mulf %mul3A_184, %convert_element_type3A_182 : vector<15x8xf32>
    %ge3A = vector.broadcast %transpose3A_177 : vector<1x8xf32> to vector<15x8xf32>
    %ge3A_186 = arith.cmpf oge, %mul3A_185, %ge3A : vector<15x8xf32>
    %add3A_187 = arith.addf %transpose3A_177, %transpose3A_178 : vector<1x8xf32>
    %lt3A_188 = vector.broadcast %add3A_187 : vector<1x8xf32> to vector<15x8xf32>
    %lt3A_189 = arith.cmpf olt, %mul3A_185, %lt3A_188 : vector<15x8xf32>
    %and3A = arith.andi %ge3A_186, %lt3A_189 : vector<15x8xi1>
    %jit3A_190 = arith.constant 0 : i32
    %broadcast_in_dim3A_191 = vector.broadcast %jit3A_190 : i32 to vector<15x8xi32>
    %select_n3A_192 = arith.select %and3A, %iota3A_181, %broadcast_in_dim3A_191 : vector<15x8xi1>, vector<15x8xi32>
    %reduce_sum3A_193 = arith.constant dense<0> : vector<15xi32>
    %reduce_sum3A_194 = vector.multi_reduction <add>, %select_n3A_192, %reduce_sum3A_193 [1] : vector<15x8xi32> to vector<15xi32>
    %broadcast_in_dim3A_195 = vector.shape_cast %reduce_sum3A_194 : vector<15xi32> to vector<15x1xi32>
    %reduce_sum3A_196 = vector.shape_cast %mul3A_121 : vector<8x1xf32> to vector<1x8x1xf32>
    %reduce_sum3A_197 = arith.constant dense<0.000000e+00> : vector<1xf32>
    %reduce_sum3A_198 = vector.multi_reduction <add>, %reduce_sum3A_196, %reduce_sum3A_197 [1, 2] : vector<1x8x1xf32> to vector<1xf32>
    %reduce_sum3A_199 = vector.shape_cast %reduce_sum3A_198 : vector<1xf32> to vector<1x1x1xf32>
    %reduce_sum3A_200 = vector.extract %reduce_sum3A_199[0, 0, 0] : f32 from vector<1x1x1xf32>
    %div3A_201 = arith.constant 1.000000e+00 : f32
    %div3A_202 = arith.constant 5.760000e+02 : f32
    %div3A_203 = arith.divf %div3A_201, %div3A_202 : f32
    %mul3A_204 = arith.mulf %reduce_sum3A_200, %div3A_203 : f32
    %slice3A_205 = vector.extract_strided_slice %iota3A_180 {offsets = [0, 0], sizes = [15, 1], strides = [1, 1]} : vector<15x8xi32> to vector<15x1xi32>
    %convert_element_type3A_206 = arith.sitofp %slice3A_205 : vector<15x1xi32> to vector<15x1xf32>
    %lt3A_207 = vector.broadcast %mul3A_204 : f32 to vector<15x1xf32>
    %lt3A_208 = arith.cmpf olt, %convert_element_type3A_206, %lt3A_207 : vector<15x1xf32>
    %convert_element_type3A_209 = arith.extui %lt3A_208 : vector<15x1xi1> to vector<15x1xi32>
    %gt3A = arith.constant 0.000000e+00 : f32
    %gt3A_210 = vector.broadcast %gt3A : f32 to vector<1x8xf32>
    %gt3A_211 = arith.cmpf ogt, %transpose3A_179, %gt3A_210 : vector<1x8xf32>
    %slice3A_212 = vector.extract_strided_slice %iota3A_123 {offsets = [0, 0], sizes = [1, 8], strides = [1, 1]} : vector<8x8xi32> to vector<1x8xi32>
    %jit3A_213 = arith.constant 0 : i32
    %broadcast_in_dim3A_214 = vector.broadcast %jit3A_213 : i32 to vector<1x8xi32>
    %select_n3A_215 = arith.select %gt3A_211, %slice3A_212, %broadcast_in_dim3A_214 : vector<1x8xi1>, vector<1x8xi32>
    %reduce_max3A_216 = arith.constant dense<-2147483648> : vector<1xi32>
    %reduce_max3A_217 = vector.multi_reduction <maxsi>, %select_n3A_215, %reduce_max3A_216 [1] : vector<1x8xi32> to vector<1xi32>
    %broadcast_in_dim3A_218 = vector.shape_cast %reduce_max3A_217 : vector<1xi32> to vector<1x1xi32>
    %eq3A_219 = arith.constant 1 : i32
    %eq3A_220 = vector.broadcast %eq3A_219 : i32 to vector<15x1xi32>
    %eq3A_221 = arith.cmpi eq, %convert_element_type3A_209, %eq3A_220 : vector<15x1xi32>
    %broadcast_in_dim3A_222 = vector.shape_cast %broadcast_in_dim3A_218 : vector<1x1xi32> to vector<1x1xi32>
    %broadcast_in_dim3A_223 = vector.broadcast %broadcast_in_dim3A_222 : vector<1x1xi32> to vector<15x1xi32>
    %select_n3A_224 = arith.select %eq3A_221, %broadcast_in_dim3A_195, %broadcast_in_dim3A_223 : vector<15x1xi1>, vector<15x1xi32>
    %sub3A_225 = arith.constant 1.000000e+00 : f32
    %sub3A_226 = arith.subf %mul3A_204, %sub3A_225 : f32
    %min3A = vector.broadcast %sub3A_226 : f32 to vector<15x1xf32>
    %min3A_227 = arith.minimumf %convert_element_type3A_206, %min3A : vector<15x1xf32>
    %convert_element_type3A_228 = arith.fptosi %min3A_227 : vector<15x1xf32> to vector<15x1xi32>
    %iota3A_229 = tpu.iota {dimensions = array<i32: 1>} : vector<15x8xi32>
    %eq3A_230 = arith.constant 0 : i32
    %eq3A_231 = vector.broadcast %eq3A_230 : i32 to vector<15x8xi32>
    %eq3A_232 = arith.cmpi eq, %iota3A_229, %eq3A_231 : vector<15x8xi32>
    %eq3A_233 = arith.constant 1 : i32
    %eq3A_234 = vector.broadcast %eq3A_233 : i32 to vector<15x8xi32>
    %eq3A_235 = arith.cmpi eq, %iota3A_229, %eq3A_234 : vector<15x8xi32>
    %eq3A_236 = arith.constant 2 : i32
    %eq3A_237 = vector.broadcast %eq3A_236 : i32 to vector<15x8xi32>
    %eq3A_238 = arith.cmpi eq, %iota3A_229, %eq3A_237 : vector<15x8xi32>
    %jit3A_239 = arith.constant 0 : i32
    %broadcast_in_dim3A_240 = vector.shape_cast %convert_element_type3A_228 : vector<15x1xi32> to vector<15x1xi32>
    %broadcast_in_dim3A_241 = vector.broadcast %broadcast_in_dim3A_240 : vector<15x1xi32> to vector<15x8xi32>
    %broadcast_in_dim3A_242 = vector.broadcast %jit3A_239 : i32 to vector<15x8xi32>
    %select_n3A_243 = arith.select %eq3A_238, %broadcast_in_dim3A_241, %broadcast_in_dim3A_242 : vector<15x8xi1>, vector<15x8xi32>
    %broadcast_in_dim3A_244 = vector.shape_cast %convert_element_type3A_209 : vector<15x1xi32> to vector<15x1xi32>
    %broadcast_in_dim3A_245 = vector.broadcast %broadcast_in_dim3A_244 : vector<15x1xi32> to vector<15x8xi32>
    %select_n3A_246 = arith.select %eq3A_235, %broadcast_in_dim3A_245, %select_n3A_243 : vector<15x8xi1>, vector<15x8xi32>
    %broadcast_in_dim3A_247 = vector.shape_cast %select_n3A_224 : vector<15x1xi32> to vector<15x1xi32>
    %broadcast_in_dim3A_248 = vector.broadcast %broadcast_in_dim3A_247 : vector<15x1xi32> to vector<15x8xi32>
    %select_n3A_249 = arith.select %eq3A_232, %broadcast_in_dim3A_248, %select_n3A_246 : vector<15x8xi1>, vector<15x8xi32>
    %swap3A_250 = arith.constant 0 : index
    %swap3A_251 = arith.constant 0 : index
    %swap3A_252 = vector.load %arg4[%swap3A_250, %swap3A_251] : memref<15x8xi32, #tpu.memory_space<vmem>>, vector<15x8xi32>
    tpu.vector_store %arg4[%swap3A_250, %swap3A_251], %select_n3A_249 {strides = array<i32>} : memref<15x8xi32, #tpu.memory_space<vmem>>, vector<15x8xi32>,
    return
  }
}

module attributes {stable_mosaic.version = 14 : i64} {
  func.func @_final_body(%arg0: i32, %arg1: memref<1024x768xf32, #tpu.memory_space<vmem>>, %arg2: memref<1024x384xi32, #tpu.memory_space<vmem>>, %arg3: memref<1024x384xi32, #tpu.memory_space<vmem>>, %arg4: memref<1024x8xf32, #tpu.memory_space<vmem>>, %arg5: memref<768x2048xf32, #tpu.memory_space<vmem>>, %arg6: memref<768x2048xf32, #tpu.memory_space<vmem>>, %arg7: memref<2048x768xf32, #tpu.memory_space<vmem>>, %arg8: memref<768x128xf32, #tpu.memory_space<vmem>>, %arg9: memref<1024x768xf32, #tpu.memory_space<vmem>>) attributes {dimension_semantics = [#tpu.dimension_semantics<arbitrary>], iteration_bounds = array<i64: 2>, scalar_prefetch = 0 : i64, scratch_operands = 0 : i64, tpu.core_type = #tpu.core_type<tc>, window_params = [{transform_indices = @transform_0, window_bounds = array<i64: 1024, 768>}, {transform_indices = @transform_1, window_bounds = array<i64: 1024, 384>}, {transform_indices = @transform_2, window_bounds = array<i64: 1024, 384>}, {transform_indices = @transform_3, window_bounds = array<i64: 1024, 8>}, {pipeline_mode = #tpu.pipeline_mode<synchronous>, transform_indices = @transform_4, window_bounds = array<i64: 768, 2048>}, {pipeline_mode = #tpu.pipeline_mode<synchronous>, transform_indices = @transform_5, window_bounds = array<i64: 768, 2048>}, {pipeline_mode = #tpu.pipeline_mode<synchronous>, transform_indices = @transform_6, window_bounds = array<i64: 2048, 768>}, {pipeline_mode = #tpu.pipeline_mode<synchronous>, transform_indices = @transform_7, window_bounds = array<i64: 768, 128>}, {transform_indices = @transform_8, window_bounds = array<i64: 1024, 768>}]} {
    %get3A = arith.constant 0 : index
    %get3A_0 = arith.constant 0 : index
    %get3A_1 = vector.load %arg1[%get3A, %get3A_0] : memref<1024x768xf32, #tpu.memory_space<vmem>>, vector<1024x768xf32>
    %get3A_2 = arith.constant 0 : index
    %get3A_3 = arith.constant 0 : index
    %get3A_4 = vector.load %arg5[%get3A_2, %get3A_3] : memref<768x2048xf32, #tpu.memory_space<vmem>>, vector<768x2048xf32>
    %dot_general3A = arith.constant dense<0.000000e+00> : vector<1024x2048xf32>
    %dot_general3A_5 = tpu.matmul %get3A_1, %get3A_4, %dot_general3A {dimension_numbers = #tpu.dot_dimension_numbers<[1], [0], [0], [1], [0, 0, 1, 1], [], []>, transpose_lhs_hint = false} : vector<1024x768xf32>, vector<768x2048xf32>, vector<1024x2048xf32> -> vector<1024x2048xf32>
    %get3A_6 = arith.constant 0 : index
    %get3A_7 = arith.constant 0 : index
    %get3A_8 = vector.load %arg6[%get3A_6, %get3A_7] : memref<768x2048xf32, #tpu.memory_space<vmem>>, vector<768x2048xf32>
    %dot_general3A_9 = arith.constant dense<0.000000e+00> : vector<1024x2048xf32>
    %dot_general3A_10 = tpu.matmul %get3A_1, %get3A_8, %dot_general3A_9 {dimension_numbers = #tpu.dot_dimension_numbers<[1], [0], [0], [1], [0, 0, 1, 1], [], []>, transpose_lhs_hint = false} : vector<1024x768xf32>, vector<768x2048xf32>, vector<1024x2048xf32> -> vector<1024x2048xf32>
    %logistic3A = arith.negf %dot_general3A_5 : vector<1024x2048xf32>
    %logistic3A_11 = math.exp %logistic3A : vector<1024x2048xf32>
    %logistic3A_12 = arith.constant 1.000000e+00 : f32
    %logistic3A_13 = vector.broadcast %logistic3A_12 : f32 to vector<1024x2048xf32>
    %logistic3A_14 = arith.addf %logistic3A_13, %logistic3A_11 : vector<1024x2048xf32>
    %logistic3A_15 = arith.divf %logistic3A_13, %logistic3A_14 : vector<1024x2048xf32>
    %mul3A = arith.mulf %dot_general3A_5, %logistic3A_15 : vector<1024x2048xf32>
    %mul3A_16 = arith.mulf %mul3A, %dot_general3A_10 : vector<1024x2048xf32>
    %get3A_17 = arith.constant 0 : index
    %get3A_18 = arith.constant 0 : index
    %get3A_19 = vector.load %arg7[%get3A_17, %get3A_18] : memref<2048x768xf32, #tpu.memory_space<vmem>>, vector<2048x768xf32>
    %dot_general3A_20 = arith.constant dense<0.000000e+00> : vector<1024x768xf32>
    %dot_general3A_21 = tpu.matmul %mul3A_16, %get3A_19, %dot_general3A_20 {dimension_numbers = #tpu.dot_dimension_numbers<[1], [0], [0], [1], [0, 0, 1, 1], [], []>, transpose_lhs_hint = false} : vector<1024x2048xf32>, vector<2048x768xf32>, vector<1024x768xf32> -> vector<1024x768xf32>
    %get3A_22 = arith.constant 0 : index
    %get3A_23 = arith.constant 0 : index
    %get3A_24 = vector.load %arg8[%get3A_22, %get3A_23] : memref<768x128xf32, #tpu.memory_space<vmem>>, vector<768x128xf32>
    %dot_general3A_25 = arith.constant dense<0.000000e+00> : vector<1024x128xf32>
    %dot_general3A_26 = tpu.matmul %get3A_1, %get3A_24, %dot_general3A_25 {dimension_numbers = #tpu.dot_dimension_numbers<[1], [0], [0], [1], [0, 0, 1, 1], [], []>, transpose_lhs_hint = false} : vector<1024x768xf32>, vector<768x128xf32>, vector<1024x128xf32> -> vector<1024x128xf32>
    %logistic3A_27 = arith.negf %dot_general3A_26 : vector<1024x128xf32>
    %logistic3A_28 = math.exp %logistic3A_27 : vector<1024x128xf32>
    %logistic3A_29 = arith.constant 1.000000e+00 : f32
    %logistic3A_30 = vector.broadcast %logistic3A_29 : f32 to vector<1024x128xf32>
    %logistic3A_31 = arith.addf %logistic3A_30, %logistic3A_28 : vector<1024x128xf32>
    %logistic3A_32 = arith.divf %logistic3A_30, %logistic3A_31 : vector<1024x128xf32>
    %slice3A = vector.extract_strided_slice %logistic3A_32 {offsets = [0, 0], sizes = [1024, 1], strides = [1, 1]} : vector<1024x128xf32> to vector<1024x1xf32>
    %get3A_33 = arith.constant 0 : index
    %get3A_34 = arith.constant 0 : index
    %get3A_35 = vector.load %arg4[%get3A_33, %get3A_34] : memref<1024x8xf32, #tpu.memory_space<vmem>>, vector<1024x1xf32>
    %get3A_36 = arith.constant 0 : index
    %get3A_37 = arith.constant 1 : index
    %get3A_38 = vector.load %arg4[%get3A_36, %get3A_37] : memref<1024x8xf32, #tpu.memory_space<vmem>>, vector<1024x1xf32>
    %get3A_39 = arith.constant 0 : index
    %get3A_40 = arith.constant 0 : index
    %get3A_41 = vector.load %arg2[%get3A_39, %get3A_40] : memref<1024x384xi32, #tpu.memory_space<vmem>>, vector<1024x384xi32>
    %and3A = arith.constant -65536 : i32
    %and3A_42 = vector.broadcast %and3A : i32 to vector<1024x384xi32>
    %and3A_43 = arith.andi %get3A_41, %and3A_42 : vector<1024x384xi32>
    %shift_left3A = arith.constant 16 : i32
    %shift_left3A_44 = vector.broadcast %shift_left3A : i32 to vector<1024x384xi32>
    %shift_left3A_45 = arith.shli %get3A_41, %shift_left3A_44 : vector<1024x384xi32>
    %bitcast_convert_type3A = tpu.bitcast %and3A_43 : vector<1024x384xi32> -> vector<1024x384xf32>
    %bitcast_convert_type3A_46 = tpu.bitcast %shift_left3A_45 : vector<1024x384xi32> -> vector<1024x384xf32>
    %concatenate3A = tpu.concatenate %bitcast_convert_type3A, %bitcast_convert_type3A_46 in 1 : vector<1024x384xf32>, vector<1024x384xf32> -> vector<1024x768xf32>
    %get3A_47 = arith.constant 0 : index
    %get3A_48 = arith.constant 0 : index
    %get3A_49 = vector.load %arg3[%get3A_47, %get3A_48] : memref<1024x384xi32, #tpu.memory_space<vmem>>, vector<1024x384xi32>
    %and3A_50 = arith.constant -65536 : i32
    %and3A_51 = vector.broadcast %and3A_50 : i32 to vector<1024x384xi32>
    %and3A_52 = arith.andi %get3A_49, %and3A_51 : vector<1024x384xi32>
    %shift_left3A_53 = arith.constant 16 : i32
    %shift_left3A_54 = vector.broadcast %shift_left3A_53 : i32 to vector<1024x384xi32>
    %shift_left3A_55 = arith.shli %get3A_49, %shift_left3A_54 : vector<1024x384xi32>
    %bitcast_convert_type3A_56 = tpu.bitcast %and3A_52 : vector<1024x384xi32> -> vector<1024x384xf32>
    %bitcast_convert_type3A_57 = tpu.bitcast %shift_left3A_55 : vector<1024x384xi32> -> vector<1024x384xf32>
    %concatenate3A_58 = tpu.concatenate %bitcast_convert_type3A_56, %bitcast_convert_type3A_57 in 1 : vector<1024x384xf32>, vector<1024x384xf32> -> vector<1024x768xf32>
    %mul3A_59 = vector.broadcast %get3A_35 : vector<1024x1xf32> to vector<1024x768xf32>
    %mul3A_60 = arith.mulf %mul3A_59, %concatenate3A : vector<1024x768xf32>
    %mul3A_61 = vector.broadcast %get3A_38 : vector<1024x1xf32> to vector<1024x768xf32>
    %mul3A_62 = arith.mulf %mul3A_61, %concatenate3A_58 : vector<1024x768xf32>
    %add3A = arith.addf %mul3A_60, %mul3A_62 : vector<1024x768xf32>
    %mul3A_63 = vector.broadcast %slice3A : vector<1024x1xf32> to vector<1024x768xf32>
    %mul3A_64 = arith.mulf %mul3A_63, %dot_general3A_21 : vector<1024x768xf32>
    %add3A_65 = arith.addf %add3A, %mul3A_64 : vector<1024x768xf32>
    %swap3A = arith.constant 0 : index
    %swap3A_66 = arith.constant 0 : index
    %swap3A_67 = vector.load %arg9[%swap3A, %swap3A_66] : memref<1024x768xf32, #tpu.memory_space<vmem>>, vector<1024x768xf32>
    tpu.vector_store %arg9[%swap3A, %swap3A_66], %add3A_65 {strides = array<i32>} : memref<1024x768xf32, #tpu.memory_space<vmem>>, vector<1024x768xf32>,
    return
  }
  func.func @transform_0(%arg0: i32) -> (i32, i32) {
    %c0_i32 = arith.constant 0 : i32
    %c0_i32_0 = arith.constant 0 : i32
    return %arg0, %c0_i32 : i32, i32
  }
  func.func @transform_1(%arg0: i32) -> (i32, i32) {
    %c0_i32 = arith.constant 0 : i32
    %c0_i32_0 = arith.constant 0 : i32
    return %arg0, %c0_i32 : i32, i32
  }
  func.func @transform_2(%arg0: i32) -> (i32, i32) {
    %c0_i32 = arith.constant 0 : i32
    %c0_i32_0 = arith.constant 0 : i32
    return %arg0, %c0_i32 : i32, i32
  }
  func.func @transform_3(%arg0: i32) -> (i32, i32) {
    %c0_i32 = arith.constant 0 : i32
    %c0_i32_0 = arith.constant 0 : i32
    return %arg0, %c0_i32 : i32, i32
  }
  func.func @transform_4(%arg0: i32) -> (i32, i32) {
    %c0_i32 = arith.constant 0 : i32
    %c0_i32_0 = arith.constant 0 : i32
    %c0_i32_1 = arith.constant 0 : i32
    return %c0_i32, %c0_i32_0 : i32, i32
  }
  func.func @transform_5(%arg0: i32) -> (i32, i32) {
    %c0_i32 = arith.constant 0 : i32
    %c0_i32_0 = arith.constant 0 : i32
    %c0_i32_1 = arith.constant 0 : i32
    return %c0_i32, %c0_i32_0 : i32, i32
  }
  func.func @transform_6(%arg0: i32) -> (i32, i32) {
    %c0_i32 = arith.constant 0 : i32
    %c0_i32_0 = arith.constant 0 : i32
    %c0_i32_1 = arith.constant 0 : i32
    return %c0_i32, %c0_i32_0 : i32, i32
  }
  func.func @transform_7(%arg0: i32) -> (i32, i32) {
    %c0_i32 = arith.constant 0 : i32
    %c0_i32_0 = arith.constant 0 : i32
    %c0_i32_1 = arith.constant 0 : i32
    return %c0_i32, %c0_i32_0 : i32, i32
  }
  func.func @transform_8(%arg0: i32) -> (i32, i32) {
    %c0_i32 = arith.constant 0 : i32
    %c0_i32_0 = arith.constant 0 : i32
    return %arg0, %c0_i32 : i32, i32
  }
}

</mosaic_0001>

<sc_bundles>
// kernel: kernel.10.cloned.1.call-start
scs
__scs_entry_jumppad:
0x0: {  	(pc) =	sbr.rel $0x88, $3  }
0x1: {  	(tag) =	ssettag $0x0;
	lr =	simm.s32 $0x1  }
0x2: {  	[smem:$0x3F98] =	sst lr;
	_ =	strace $0xD0000000  }
0x3: {  	_ = 	snop  }
0x4: {  	_ = 	snop  }
0x5: {  	_ = 	snop  }
0x6: {  	_ = 	snop  }
0x7: {  	_ = 	snop  }
__scs_overlays_trampoline_lowered:
0x8: {  	[smem:$0x3FA7] =	sst s0  }
0x9: {  	[smem:$0x3FA8] =	sst s1  }
0xa: {  	[smem:$0x3FA9] =	sst s2  }
0xb: {  	[smem:$0x3FAA] =	sst s3  }
0xc: {  	[smem:$0x3FAB] =	sst s4  }
0xd: {  	[smem:$0x3FAC] =	sst s5  }
0xe: {  	[smem:$0x3FAD] =	sst s6  }
0xf: {  	[smem:$0x3FAE] =	sst s7  }
0x10: {  	[smem:$0x3FAF] =	sst s8  }
0x11: {  	[smem:$0x3FB0] =	sst s9;
	s0 =	simm.s32 @!p0 $0x0  }
0x12: {  	s1 =	sld [smem:$0x3F96];
	s0 =	simm.s32 @p0 $0x1  }
0x13: {  	[smem:$0x3FB1] =	sst s0;
	s0 =	simm.s32 @!p1 $0x0  }
0x14: {  	s2 =	sld [smem:$0x3F95];
	s0 =	simm.s32 @p1 $0x1  }
0x15: {  	[smem:$0x3FB2] =	sst s0;
	s0 =	simm.s32 @!p2 $0x0  }
0x16: {  	s3 =	sld [smem:$0x3FDB];
	s0 =	simm.s32 @p2 $0x1  }
0x17: {  	s4 =	simm.s32 $0x1BF5;
	[smem:$0x3FB4] =	sst s0  }
0x18: {  	s0 =	sld [smem:$0x3F97];
	_ =	swait.ge [sflag:s4], $0x0  }
0x19: {  	s7 =	sld [smem:$0x3F98]  }
0x1a: {  	s8 =	sadd.s32 $0xFFFFE003, lr  }
0x1b: {  	s9 =	sadd.s32 $0xFFFFFEF7, lr;
	s5 =	simm.s32 $0xFFFFFFFF;
	p2 =	slt.u32 s8, $0xFFFFF086  }
0x1c: {  	p1 =	slt.u32 s9, $0xF7A;
	s5 =	simm.s32 @!p2 $0x0  }
0x1d: {  	s5 =	simm.s32 @p1 $0x1;
	p0 =	seq.s32 s7, s2  }
0x1e: {  	s7 =	smul.u32 @!p0 $0xF7A, s2;
	p2 =	seq.s32 @!p0 s5, $0x0  }
0x1f: {  	s9 =	smul.u32 $0xF7A, s1;
	s8 =	simm.s32 @!p0 $0x1BF5;
	p2 =	por !p2, p0  }
0x20: {  	[sflag:s8] =	ssyncset.s32 @!p0 $0xFFFFF086;
	s6 =	sadd.s32 @!p0 s3, s7;
	s7 =	simm.s32 @!p0 $0x108  }
0x21: {  	s3 =	sadd.s32 s3, s9;
	s6 =	sadd.s32 @!p0 $0x88, s6;
	s7 =	simm.s32 @p2 $0x1082  }
0x22: {  	[simem:s7], [sflag:s8] =	dma.local @!p0 [hbm:s6], $0xF7A  }
0x23: {  	s9 =	sor.u32 $0xD0000000, s2;
	s6 =	simm.s32 $0x108;
	_ =	swait.ge @!p0 [sflag:s8], $0x0  }
0x24: {  	s3 =	sadd.s32 $0x88, s3;
	s6 =	simm.s32 @!p1 $0x1082;
	[sflag:s4] =	ssyncset.s32 $0xFFFFF086  }
0x25: {  	[simem:s6], [sflag:s4] =	dma.local [hbm:s3], $0xF7A  }
0x26: {  	[smem:$0x3F98] =	sst s1;
	(tag) =	ssettag s2;
	_ =	strace s9  }
0x27: {  	s1 =	sld [smem:$0x3FA8]  }
0x28: {  	s2 =	sld [smem:$0x3FA9]  }
0x29: {  	s4 =	sld [smem:$0x3FAB]  }
0x2a: {  	p0 =	seq.s32 s5, $0x0;
	s5 =	sld [smem:$0x3FAC]  }
0x2b: {  	s6 =	sld [smem:$0x3FAD]  }
0x2c: {  	s7 =	sld [smem:$0x3FAE]  }
0x2d: {  	s3 =	simm.s32 $0x108;
	s8 =	sld [smem:$0x3FAF]  }
0x2e: {  	s3 =	simm.s32 @!p0 $0x1082;
	s9 =	sld [smem:$0x3FB0]  }
0x2f: {  	lr =	sadd.s32 s0, s3;
	s0 =	sld [smem:$0x3FA7]  }
0x30: {  	s3 =	sld [smem:$0x3FAA]  }
0x31: {  	[smem:$0x3FB3] =	sst s10  }
0x32: {  	s10 =	sld [smem:$0x3FB1];
	_ =	sdelay $0x3  }
0x33: {  	p0 =	seq.s32 s10, $0x1;
	s10 =	sld [smem:$0x3FB3];
	_ =	sdelay $0x3  }
0x34: {  	[smem:$0x3FB3] =	sst s10  }
0x35: {  	s10 =	sld [smem:$0x3FB2];
	_ =	sdelay $0x3  }
0x36: {  	p1 =	seq.s32 s10, $0x1;
	s10 =	sld [smem:$0x3FB3];
	_ =	sdelay $0x3  }
0x37: {  	[smem:$0x3FB3] =	sst s10  }
0x38: {  	s10 =	sld [smem:$0x3FB4]  }
0x39: {  	_ = 	snop;
	(pc) =	sbr.ind lr, $3  }
0x3a: {  	_ = 	snop  }
0x3b: {  	_ = 	snop  }
0x3c: {  	p2 =	seq.s32 s10, $0x1;
	s10 =	sld [smem:$0x3FB3]  }
0x3d: {  	_ =	shalt  }
0x3e: {  	_ =	shalt  }
0x3f: {  	_ =	shalt  }
0x40: {  	_ =	shalt  }
0x41: {  	_ =	shalt  }
0x42: {  	_ =	shalt  }
0x43: {  	_ =	shalt  }
0x44: {  	_ =	shalt  }
0x45: {  	_ =	shalt  }
0x46: {  	_ =	shalt  }
0x47: {  	_ =	shalt  }
0x48: {  	_ =	shalt  }
0x49: {  	_ =	shalt  }
0x4a: {  	_ =	shalt  }
0x4b: {  	_ =	shalt  }
0x4c: {  	_ =	shalt  }
0x4d: {  	_ =	shalt  }
0x4e: {  	_ =	shalt  }
0x4f: {  	_ =	shalt  }
0x50: {  	_ =	shalt  }
0x51: {  	_ =	shalt  }
0x52: {  	_ =	shalt  }
0x53: {  	_ =	shalt  }
0x54: {  	_ =	shalt  }
0x55: {  	_ =	shalt  }
0x56: {  	_ =	shalt  }
0x57: {  	_ =	shalt  }
0x58: {  	_ =	shalt  }
0x59: {  	_ =	shalt  }
0x5a: {  	_ =	shalt  }
0x5b: {  	_ =	shalt  }
0x5c: {  	_ =	shalt  }
0x5d: {  	_ =	shalt  }
0x5e: {  	_ =	shalt  }
0x5f: {  	_ =	shalt  }
0x60: {  	_ =	shalt  }
0x61: {  	_ =	shalt  }
0x62: {  	_ =	shalt  }
0x63: {  	_ =	shalt  }
0x64: {  	_ =	shalt  }
0x65: {  	_ =	shalt  }
0x66: {  	_ =	shalt  }
0x67: {  	_ =	shalt  }
0x68: {  	_ =	shalt  }
0x69: {  	_ =	shalt  }
0x6a: {  	_ =	shalt  }
0x6b: {  	_ =	shalt  }
0x6c: {  	_ =	shalt  }
0x6d: {  	_ =	shalt  }
0x6e: {  	_ =	shalt  }
0x6f: {  	_ =	shalt  }
0x70: {  	_ =	shalt  }
0x71: {  	_ =	shalt  }
0x72: {  	_ =	shalt  }
0x73: {  	_ =	shalt  }
0x74: {  	_ =	shalt  }
0x75: {  	_ =	shalt  }
0x76: {  	_ =	shalt  }
0x77: {  	_ =	shalt  }
0x78: {  	_ =	shalt  }
0x79: {  	_ =	shalt  }
0x7a: {  	_ =	shalt  }
0x7b: {  	_ =	shalt  }
0x7c: {  	_ =	shalt  }
0x7d: {  	_ =	shalt  }
0x7e: {  	_ =	shalt  }
0x7f: {  	_ =	shalt  }
0x80: {  	_ =	shalt  }
0x81: {  	_ =	shalt  }
0x82: {  	_ =	shalt  }
0x83: {  	_ =	shalt  }
0x84: {  	_ =	shalt  }
0x85: {  	_ =	shalt  }
0x86: {  	_ =	shalt  }
0x87: {  	_ =	shalt  }
.Lfunc_end0:
.L_simem_size_0:
called_computation.1_lowered:
.L_overlay_start_0:
0x88: {  	s2 =	sld [smem:$0x3FD9]  }
0x89: {  	s3 =	sld [smem:$0x3FFE];
	_ =	sdelay $0x1  }
0x8a: {  	s1 =	srdreg.scid  }
0x8b: {  	s0 =	sand.u32 $0x1, s1  }
0x8c: {  	s17 =	sshll.u32 s0, $0xA;
	s2 =	sadd.s32 s3, s2  }
0x8d: {  	s2 =	sadd.s32 s2, s17  }
0x8e: {  	[smem:$0x3FBF] =	sst s2  }
0x8f: {  	_ = 	snop  }
0x90: {  	s2 =	sld [smem:$0x3FD0];
	(tm) =	ssettm $0x1  }
0x91: {  	s18 =	sld [smem:$0x3FFB];
	_ =	sdelay $0x3  }
0x92: {  	_ =	strace s18  }
0x93: {  	s3 =	sld [smem:$0x3FFC];
	_ =	sdelay $0x3  }
0x94: {  	_ =	strace s3  }
0x95: {  	s3 =	sld [smem:$0x3FFD];
	_ =	sdelay $0x3  }
0x96: {  	_ =	strace s3  }
0x97: {  	_ =	strace $0x8FFFFFFF  }
0x98: {  	s19 =	sld [smem:$0x3FDB];
	_ =	sdelay $0x1  }
0x99: {  	s4 =	simm.s32 $_scs_section_size  }
0x9a: {  	s5 =	simm.s32 $_size__tile_overlayer_lowered;
	s6 =	simm.s32 $_tile_overlayer_lowered  }
0x9b: {  	s22 =	simm.s32 $0x1BFF;
	s21 =	sshll.u32 s6, $0x1;
	s3 =	sadd.s32 s4, s19  }
0x9c: {  	s7 =	simm.s32 $0x0;
	s20 =	sshll.u32 s5, $0x1;
	s5 =	sadd.s32 s21, s3  }
0x9d: {  	[timem:s7], [sflag:s22] =	dma.local [hbm:s5], s20  }
0x9e: {  	_ =	swait.ge [sflag:s22], s20  }
0x9f: {  	s4 =	ssub.s32 $0x0, s20;
	[sflag:s22] =	ssyncset.done $0x0  }
0xa0: {  	[sflag:s22] =	ssyncadd.s32 s4;
	_ =	sdelay $0x1  }
0xa1: {  	s23 =	simm.s32 $0x1B8B  }
0xa2: {  	_ =	swait.ge [sflag:s23], $0x1  }
0xa3: {  	[sflag:s23] =	ssyncset.done $0x0  }
0xa4: {  	s25 =	simm.s32 $0x1B8E;
	s24 =	sld [smem:$0x3FFE];
	[sflag:s23] =	ssyncadd.s32 $0xFFFFFFFF  }
0xa5: {  	s26 =	simm.s32 $execute0_lowered;
	[smem:$0x3FD2] =	sst s25  }
0xa6: {  	s5 =	sshll.u32 s26, $0x1;
	_ =	strace $0x80000049;
	[dreg:$0x1] =	wrdreg $0xFFFFFFFF  }
0xa7: {  	s28 =	simm.s32 $_size_execute0_lowered;
	s3 =	sadd.s32 s3, s5;
	[dreg:$0x0] =	wrdreg $0x0  }
0xa8: {  	s5 =	sshll.u32 s28, $0x1;
	[dreg:$0x2] =	wrdreg s3  }
0xa9: {  	[dreg:$0x3] =	wrdreg s5  }
0xaa: {  	[dreg:$0x4] =	wrdreg $0xC0  }
0xab: {  	_ =	task [dreg:s7], $0x5FFFF  }
0xac: {  	[dreg:$0x1] =	wrdreg $0xFFFFFFFF  }
0xad: {  	[dreg:$0x0] =	wrdreg $0x60  }
0xae: {  	[dreg:$0x2] =	wrdreg s24  }
0xaf: {  	[dreg:$0x3] =	wrdreg s2  }
0xb0: {  	[dreg:$0x4] =	wrdreg $0x9  }
0xb1: {  	_ =	task.clear_ibuf [dreg:s7], $0x5FFFF;
	_ =	strace $0x90000049  }
0xb2: {  	s29 =	simm.s32 $0x9;
	_ =	strace $0x8000004B  }
0xb3: {  	_ =	swait.ge [sflag:s29], $0x1  }
0xb4: {  	[sflag:s29] =	ssyncadd.s32 $0xFFFFFFFF  }
0xb5: {  	_ =	strace $0x9000004B  }
0xb6: {  	_ =	sfence  }
0xb7: {  	s30 =	sld [smem:$0x0];
	_ =	sdelay $0x2  }
0xb8: {  	s31 =	sshll.u32 s1, $0xD;
	s1 =	sshrl.u32 s1, $0x2  }
0xb9: {  	s3 =	sand.u32 $0x4000, s31;
	s1 =	sadd.s32 s1, s30  }
0xba: {  	s0 =	sor.u32 s3, s0;
	s1 =	sshll.u32 s1, $0x11  }
0xbb: {  	s0 =	sor.u32 s1, s0  }
0xbc: {  	s0 =	sadd.s32 $0x8F2B, s0  }
0xbd: {  	[sflag:s0] =	ssyncadd.remote.s32 $0x1  }
0xbe: {  	_ =	sfence.sel $0xFFFF  }
0xbf: {  	[dreg:$0x0] =	wrdreg $0xFFFFFFFF;
	(pc) =	sbr.abs _section_cstart, $3  }
0xc0: {  	[dreg:$0x1] =	wrdreg $0xFFFFFFFF  }
0xc1: {  	_ =	task.clear_ibuf [dreg:s7], $0x2FFFF;
	_ =	strace $0x9FFFFFFF  }
0xc2: {  	(tm) =	ssettm $0x7FFFFFFF  }
0xc3: {  	_ =	shalt  }
tec
execute0_lowered:
.L_overlay_start_1:
0x0: {  	(tag) =	ssettag $0x1  }
0x1: {  	s1 =	srdreg.scid;
	s4 =	rddreg [dreg:$0x0]  }
0x2: {  	s0 =	stileid.u32;
	s3 =	rddreg [dreg:$0x1]  }
0x3: {  	s2 =	simm.s32 $0x0;
	s18 =	simm.s32 $0x880;
	s19 =	simm.s32 $0xC80  }
0x4: {  	s20 =	simm.s32 $0x1480;
	s21 =	simm.s32 $0x1880;
	s23 =	simm.s32 $0x2080  }
0x5: {  	s24 =	simm.s32 $0x2480;
	s25 =	simm.s32 $0x2C80;
	s26 =	simm.s32 $0x3080  }
0x6: {  	s7 =	simm.s32 $0x80;
	s9 =	simm.s32 $0x3C80;
	s10 =	simm.s32 $0x4480  }
0x7: {  	s11 =	simm.s32 $0x4880;
	s12 =	simm.s32 $0x5080;
	[smem:$0x7FF] =	sst s2  }
0x8: {  	s13 =	simm.s32 $0x5480;
	_ =	strace $0x8000004A;
	[dreg:$0x5] =	wrdreg s18  }
0x9: {  	s14 =	simm.s32 $0x5C80;
	s15 =	simm.s32 $0x6080;
	[dreg:$0x6] =	wrdreg s19  }
0xa: {  	s16 =	simm.s32 $0x6880;
	s17 =	simm.s32 $0x6C80;
	[dreg:$0x7] =	wrdreg s20  }
0xb: {  	s28 =	simm.s32 $0xA880;
	s29 =	simm.s32 $0xB080;
	[dreg:$0x8] =	wrdreg s21  }
0xc: {  	s30 =	simm.s32 $0xB480;
	s31 =	simm.s32 $0xBC80;
	[dreg:$0x9] =	wrdreg s23  }
0xd: {  	s1 =	sand.u32 $0x1, s1;
	s5 =	sshll.u32 s0, $0x5;
	[dreg:$0xa] =	wrdreg s24  }
0xe: {  	s6 =	sshll.u32 s1, $0x4;
	s1 =	ssub.s32 $0x2, s1;
	[dreg:$0xb] =	wrdreg s25  }
0xf: {  	[dreg:$0xc] =	wrdreg s26;
	s18 =	simm.s32 $0x7480;
	s19 =	simm.s32 $0x7880  }
0x10: {  	s20 =	simm.s32 $0x8080;
	s21 =	simm.s32 $0x8480;
	s23 =	simm.s32 $0x9080  }
0x11: {  	s24 =	simm.s32 $0x9880;
	s25 =	simm.s32 $0x9C80;
	s5 =	sor.u32 s6, s5  }
0x12: {  	s22 =	sshrl.u32 s1, $0x1;
	s6 =	sadd.s32 s5, s4;
	s5 =	smul.u32 $0x180, s5  }
0x13: {  	s26 =	simm.s32 $0xA480;
	s1 =	ssub.s32 s1, s22;
	s6 =	sadd.s32 $0xE00, s6  }
0x14: {  	v2 =	vlaneseq.u32;
	s22 =	simm.s32 $0x8C80;
	[dreg:$0x3] =	wrdreg s6;
	s3 =	sadd.s32 s3, s5  }
0x15: {  	vm0 =	vmmov $0xffff;
	vm1 =	vmmov $0xff;
	v1 =	vshrl.u32 v2, $0x3;
	s5 =	smax.u32 s1, $0x1;
	s6 =	simm.s32 $0x2;
	s1 =	simm.s32 $0x1  }
0x16: {  	v0 =	vand.u32 $0x7, v2;
	v2 =	vor.u32 $0x8, v2;
	v1 =	vmul.u32 $0x8, v1;
	[dreg:$0x4] =	wrdreg s3;
	s3 =	sadd.s32 $0x1000, s4;
	s4 =	sadd.s32 $0x1100, s4  }
.LBB2_1:
0x17: {  	s0 =	rddreg [dreg:$0x3]  }
0x18: {  	[tilespmem:s2], [sflag:$0x2] =	stream.linear.gather [hbm4b:s0+s2], $0x80, $0x38;
	[tilespmem:$0xC080] =	vst v63  }
0x19: {  	_ =	swait.ge [sflag:s6], $0x80  }
0x1a: {  	[sflag:s6] =	ssyncset.done $0x0  }
0x1b: {  	[sflag:s6] =	ssyncadd.s32 $0xFFFFFF80  }
0x1c: {  	v3 =	vld [tilespmem:$0x0];
	_ =	sdelay $0x4  }
0x1d: {  	v4 =	vshrl.u32 v3, $0x3  }
0x1e: {  	v4 =	vmul.u32 $0x18, v4  }
0x1f: {  	v3 =	vand.u32 $0x7, v3  }
0x20: {  	v3 =	vor.u32 v3, v4  }
0x21: {  	v4 =	vperm.xlane v3, v0;
	_ =	sdelay $0x1  }
0x22: {  	v4 =	vadd.s32 v1, v4;
	_ =	sdelay $0x1  }
0x23: {  	v3 =	vperm.xlane v3, v2;
	_ =	sdelay $0x1  }
0x24: {  	v3 =	vadd.s32 v1, v3  }
0x25: {  	[tilespmem:s7], [sflag:$0x1] =	stream.indirect_vreg.gather [hbm4b:s3+s2], $0x80, v4, vm0, $0xb8;
	[tilespmem:$0xC080] =	vst v63  }
0x26: {  	s0 =	rddreg [dreg:$0x5]  }
0x27: {  	[tilespmem:s0], [sflag:$0x1] =	stream.indirect_vreg.gather [hbm4b:s4+s2], $0x80, v4, vm1, $0xb8;
	[tilespmem:$0xC080] =	vst v63  }
0x28: {  	s8 =	rddreg [dreg:$0x6]  }
0x29: {  	[tilespmem:s8], [sflag:$0x1] =	stream.indirect_vreg.gather [hbm4b:s3+s2], $0x80, v3, vm0, $0xb8;
	[tilespmem:$0xC080] =	vst v63  }
0x2a: {  	s0 =	rddreg [dreg:$0x7]  }
0x2b: {  	[tilespmem:s0], [sflag:$0x1] =	stream.indirect_vreg.gather [hbm4b:s4+s2], $0x80, v3, vm1, $0xb8;
	[tilespmem:$0xC080] =	vst v63  }
0x2c: {  	v3 =	vld [tilespmem:$0x10];
	_ =	sdelay $0x4  }
0x2d: {  	v57 =	vshrl.u32 v3, $0x3  }
0x2e: {  	v4 =	vmul.u32 $0x18, v57  }
0x2f: {  	v3 =	vand.u32 $0x7, v3  }
0x30: {  	v3 =	vor.u32 v3, v4  }
0x31: {  	v4 =	vperm.xlane v3, v0;
	_ =	sdelay $0x1  }
0x32: {  	v4 =	vadd.s32 v1, v4;
	_ =	sdelay $0x1  }
0x33: {  	v3 =	vperm.xlane v3, v2;
	_ =	sdelay $0x1  }
0x34: {  	s0 =	rddreg [dreg:$0x8];
	v3 =	vadd.s32 v1, v3  }
0x35: {  	[tilespmem:s0], [sflag:$0x1] =	stream.indirect_vreg.gather [hbm4b:s3+s2], $0x80, v4, vm0, $0xb8;
	[tilespmem:$0xC080] =	vst v63  }
0x36: {  	s8 =	rddreg [dreg:$0x9]  }
0x37: {  	[tilespmem:s8], [sflag:$0x1] =	stream.indirect_vreg.gather [hbm4b:s4+s2], $0x80, v4, vm1, $0xb8;
	[tilespmem:$0xC080] =	vst v63  }
0x38: {  	s0 =	rddreg [dreg:$0xa]  }
0x39: {  	[tilespmem:s0], [sflag:$0x1] =	stream.indirect_vreg.gather [hbm4b:s3+s2], $0x80, v3, vm0, $0xb8;
	[tilespmem:$0xC080] =	vst v63  }
0x3a: {  	s8 =	rddreg [dreg:$0xb]  }
0x3b: {  	[tilespmem:s8], [sflag:$0x1] =	stream.indirect_vreg.gather [hbm4b:s4+s2], $0x80, v3, vm1, $0xb8;
	[tilespmem:$0xC080] =	vst v63  }
0x3c: {  	v3 =	vld [tilespmem:$0x20];
	_ =	sdelay $0x4  }
0x3d: {  	v58 =	vshrl.u32 v3, $0x3  }
0x3e: {  	v4 =	vmul.u32 $0x18, v58  }
0x3f: {  	v3 =	vand.u32 $0x7, v3  }
0x40: {  	v3 =	vor.u32 v3, v4  }
0x41: {  	v4 =	vperm.xlane v3, v0;
	_ =	sdelay $0x1  }
0x42: {  	v4 =	vadd.s32 v1, v4;
	_ =	sdelay $0x1  }
0x43: {  	v3 =	vperm.xlane v3, v2;
	_ =	sdelay $0x1  }
0x44: {  	s8 =	rddreg [dreg:$0xc];
	v3 =	vadd.s32 v1, v3  }
0x45: {  	[tilespmem:s8], [sflag:$0x1] =	stream.indirect_vreg.gather [hbm4b:s3+s2], $0x80, v4, vm0, $0xb8;
	[tilespmem:$0xC080] =	vst v63  }
0x46: {  	s8 =	simm.s32 $0x3880  }
0x47: {  	[tilespmem:s8], [sflag:$0x1] =	stream.indirect_vreg.gather [hbm4b:s4+s2], $0x80, v4, vm1, $0xb8;
	[tilespmem:$0xC080] =	vst v63  }
0x48: {  	_ = 	snop  }
0x49: {  	[tilespmem:s9], [sflag:$0x1] =	stream.indirect_vreg.gather [hbm4b:s3+s2], $0x80, v3, vm0, $0xb8;
	[tilespmem:$0xC080] =	vst v63  }
0x4a: {  	_ = 	snop  }
0x4b: {  	[tilespmem:s10], [sflag:$0x1] =	stream.indirect_vreg.gather [hbm4b:s4+s2], $0x80, v3, vm1, $0xb8;
	[tilespmem:$0xC080] =	vst v63  }
0x4c: {  	v3 =	vld [tilespmem:$0x30];
	_ =	sdelay $0x4  }
0x4d: {  	v59 =	vshrl.u32 v3, $0x3  }
0x4e: {  	v4 =	vmul.u32 $0x18, v59  }
0x4f: {  	v3 =	vand.u32 $0x7, v3  }
0x50: {  	v3 =	vor.u32 v3, v4  }
0x51: {  	v4 =	vperm.xlane v3, v0;
	_ =	sdelay $0x1  }
0x52: {  	v4 =	vadd.s32 v1, v4;
	_ =	sdelay $0x1  }
0x53: {  	v3 =	vperm.xlane v3, v2;
	_ =	sdelay $0x1  }
0x54: {  	v3 =	vadd.s32 v1, v3  }
0x55: {  	[tilespmem:s11], [sflag:$0x1] =	stream.indirect_vreg.gather [hbm4b:s3+s2], $0x80, v4, vm0, $0xb8;
	[tilespmem:$0xC080] =	vst v63  }
0x56: {  	_ = 	snop  }
0x57: {  	[tilespmem:s12], [sflag:$0x1] =	stream.indirect_vreg.gather [hbm4b:s4+s2], $0x80, v4, vm1, $0xb8;
	[tilespmem:$0xC080] =	vst v63  }
0x58: {  	_ = 	snop  }
0x59: {  	[tilespmem:s13], [sflag:$0x1] =	stream.indirect_vreg.gather [hbm4b:s3+s2], $0x80, v3, vm0, $0xb8;
	[tilespmem:$0xC080] =	vst v63  }
0x5a: {  	_ = 	snop  }
0x5b: {  	[tilespmem:s14], [sflag:$0x1] =	stream.indirect_vreg.gather [hbm4b:s4+s2], $0x80, v3, vm1, $0xb8;
	[tilespmem:$0xC080] =	vst v63  }
0x5c: {  	v3 =	vld [tilespmem:$0x40];
	_ =	sdelay $0x4  }
0x5d: {  	v60 =	vshrl.u32 v3, $0x3  }
0x5e: {  	v4 =	vmul.u32 $0x18, v60  }
0x5f: {  	v3 =	vand.u32 $0x7, v3  }
0x60: {  	v3 =	vor.u32 v3, v4  }
0x61: {  	v4 =	vperm.xlane v3, v0;
	_ =	sdelay $0x1  }
0x62: {  	v4 =	vadd.s32 v1, v4;
	_ =	sdelay $0x1  }
0x63: {  	v3 =	vperm.xlane v3, v2;
	_ =	sdelay $0x1  }
0x64: {  	v3 =	vadd.s32 v1, v3  }
0x65: {  	[tilespmem:s15], [sflag:$0x1] =	stream.indirect_vreg.gather [hbm4b:s3+s2], $0x80, v4, vm0, $0xb8;
	[tilespmem:$0xC080] =	vst v63  }
0x66: {  	_ = 	snop  }
0x67: {  	[tilespmem:s16], [sflag:$0x1] =	stream.indirect_vreg.gather [hbm4b:s4+s2], $0x80, v4, vm1, $0xb8;
	[tilespmem:$0xC080] =	vst v63  }
0x68: {  	_ = 	snop  }
0x69: {  	[tilespmem:s17], [sflag:$0x1] =	stream.indirect_vreg.gather [hbm4b:s3+s2], $0x80, v3, vm0, $0xb8;
	[tilespmem:$0xC080] =	vst v63  }
0x6a: {  	_ = 	snop  }
0x6b: {  	[tilespmem:s18], [sflag:$0x1] =	stream.indirect_vreg.gather [hbm4b:s4+s2], $0x80, v3, vm1, $0xb8;
	[tilespmem:$0xC080] =	vst v63  }
0x6c: {  	v3 =	vld [tilespmem:$0x50];
	_ =	sdelay $0x4  }
0x6d: {  	v61 =	vshrl.u32 v3, $0x3  }
0x6e: {  	v4 =	vmul.u32 $0x18, v61  }
0x6f: {  	v3 =	vand.u32 $0x7, v3  }
0x70: {  	v3 =	vor.u32 v3, v4  }
0x71: {  	v4 =	vperm.xlane v3, v0;
	_ =	sdelay $0x1  }
0x72: {  	v4 =	vadd.s32 v1, v4;
	_ =	sdelay $0x1  }
0x73: {  	v3 =	vperm.xlane v3, v2;
	_ =	sdelay $0x1  }
0x74: {  	v3 =	vadd.s32 v1, v3  }
0x75: {  	[tilespmem:s19], [sflag:$0x1] =	stream.indirect_vreg.gather [hbm4b:s3+s2], $0x80, v4, vm0, $0xb8;
	[tilespmem:$0xC080] =	vst v63  }
0x76: {  	_ = 	snop  }
0x77: {  	[tilespmem:s20], [sflag:$0x1] =	stream.indirect_vreg.gather [hbm4b:s4+s2], $0x80, v4, vm1, $0xb8;
	[tilespmem:$0xC080] =	vst v63  }
0x78: {  	_ = 	snop  }
0x79: {  	[tilespmem:s21], [sflag:$0x1] =	stream.indirect_vreg.gather [hbm4b:s3+s2], $0x80, v3, vm0, $0xb8;
	[tilespmem:$0xC080] =	vst v63  }
0x7a: {  	_ = 	snop  }
0x7b: {  	[tilespmem:s22], [sflag:$0x1] =	stream.indirect_vreg.gather [hbm4b:s4+s2], $0x80, v3, vm1, $0xb8;
	[tilespmem:$0xC080] =	vst v63  }
0x7c: {  	v3 =	vld [tilespmem:$0x60];
	_ =	sdelay $0x4  }
0x7d: {  	v62 =	vshrl.u32 v3, $0x3  }
0x7e: {  	v4 =	vmul.u32 $0x18, v62  }
0x7f: {  	v3 =	vand.u32 $0x7, v3  }
0x80: {  	v3 =	vor.u32 v3, v4  }
0x81: {  	v4 =	vperm.xlane v3, v0;
	_ =	sdelay $0x1  }
0x82: {  	v4 =	vadd.s32 v1, v4;
	_ =	sdelay $0x1  }
0x83: {  	v3 =	vperm.xlane v3, v2;
	_ =	sdelay $0x1  }
0x84: {  	v3 =	vadd.s32 v1, v3  }
0x85: {  	[tilespmem:s23], [sflag:$0x1] =	stream.indirect_vreg.gather [hbm4b:s3+s2], $0x80, v4, vm0, $0xb8;
	[tilespmem:$0xC080] =	vst v63  }
0x86: {  	_ = 	snop  }
0x87: {  	[tilespmem:s24], [sflag:$0x1] =	stream.indirect_vreg.gather [hbm4b:s4+s2], $0x80, v4, vm1, $0xb8;
	[tilespmem:$0xC080] =	vst v63  }
0x88: {  	_ = 	snop  }
0x89: {  	[tilespmem:s25], [sflag:$0x1] =	stream.indirect_vreg.gather [hbm4b:s3+s2], $0x80, v3, vm0, $0xb8;
	[tilespmem:$0xC080] =	vst v63  }
0x8a: {  	_ = 	snop  }
0x8b: {  	[tilespmem:s26], [sflag:$0x1] =	stream.indirect_vreg.gather [hbm4b:s4+s2], $0x80, v3, vm1, $0xb8;
	[tilespmem:$0xC080] =	vst v63  }
0x8c: {  	v3 =	vld [tilespmem:$0x70];
	_ =	sdelay $0x4  }
0x8d: {  	v63 =	vshrl.u32 v3, $0x3  }
0x8e: {  	v4 =	vmul.u32 $0x18, v63  }
0x8f: {  	v3 =	vand.u32 $0x7, v3  }
0x90: {  	v3 =	vor.u32 v3, v4  }
0x91: {  	v4 =	vperm.xlane v3, v0;
	_ =	sdelay $0x1  }
0x92: {  	v4 =	vadd.s32 v1, v4;
	_ =	sdelay $0x1  }
0x93: {  	v3 =	vperm.xlane v3, v2;
	_ =	sdelay $0x1  }
0x94: {  	v3 =	vadd.s32 v1, v3  }
0x95: {  	[tilespmem:s28], [sflag:$0x1] =	stream.indirect_vreg.gather [hbm4b:s3+s2], $0x80, v4, vm0, $0xb8;
	[tilespmem:$0xC080] =	vst v63  }
0x96: {  	_ = 	snop  }
0x97: {  	[tilespmem:s29], [sflag:$0x1] =	stream.indirect_vreg.gather [hbm4b:s4+s2], $0x80, v4, vm1, $0xb8;
	[tilespmem:$0xC080] =	vst v63  }
0x98: {  	_ = 	snop  }
0x99: {  	[tilespmem:s30], [sflag:$0x1] =	stream.indirect_vreg.gather [hbm4b:s3+s2], $0x80, v3, vm0, $0xb8;
	[tilespmem:$0xC080] =	vst v63  }
0x9a: {  	_ = 	snop  }
0x9b: {  	[tilespmem:s31], [sflag:$0x1] =	stream.indirect_vreg.gather [hbm4b:s4+s2], $0x80, v3, vm1, $0xb8;
	[tilespmem:$0xC080] =	vst v63  }
0x9c: {  	_ =	swait.ge [sflag:s1], $0xC000  }
0x9d: {  	p0 =	sne.s32 s5, $0x1;
	[sflag:s1] =	ssyncset.done $0x0  }
.Ltmp0:
0x9e: {  	s8 =	rddreg [dreg:$0x4];
	[sflag:s1] =	ssyncadd.s32 $0xFFFF4000;
	(pc) =	sbr.rel @p0 .LBB2_1-.Ltmp0, $4  }
0x9f: {  	[hbm4b:s8+s2] =	stream.linear.scatter [tilespmem:s7], [sflag:$0x2], $0xC000, $0x38;
	[tilespmem:$0xC080] =	vst v63  }
0xa0: {  	_ =	swait.ge [sflag:s6], $0xC000  }
0xa1: {  	[sflag:s6] =	ssyncset.done $0x0  }
0xa2: {  	s5 =	sadd.s32 $0xFFFFFFFF, s5;
	[sflag:s6] =	ssyncadd.s32 $0xFFFF4000  }
0xa3: {  	_ =	sfence.sel $0x180000  }
0xa4: {  	[bflag:$0x0] =	sbarrier.arrive $0xFFFF  }
0xa5: {  	_ =	strace $0x9000004A  }
0xa6: {  	s0 =	stileid.u32;
	[bflag:$0x2] =	sbarrier.arrive $0xFFFF  }
0xa7: {  	p0 =	sne.s32 s0, $0x0;
	s0 =	rddreg [dreg:$0x2]  }
0xa8: {  	s0 =	sadd.s32 @!p0 $0x100000, s0  }
0xa9: {  	[sflag:s0] =	ssyncadd.tile.s32 @!p0 $0x1;
	_ =	shalt  }
.Lfunc_end2:
_tile_overlayer_lowered:
.L_overlay_start_2:
0xaa: {  	(tag) =	ssettag $0x2  }
0xab: {  	s0 =	rddreg [dreg:$0x0];
	s2 =	stileid.u32  }
0xac: {  	s1 =	rddreg [dreg:$0x1];
	p0 =	sne.s32 s2, $0x0  }
0xad: {  	s3 =	rddreg [dreg:$0x2];
	[bflag:$0x3] =	sbarrier.arrive $0xFFFF;
	s2 =	simm.s32 @!p0 $0x1C02  }
0xae: {  	[timem:s3], [sflag:s2] =	dma.local @!p0 [hbm:s0], s1  }
0xaf: {  	s0 =	simm.s32 @!p0 $0x2  }
0xb0: {  	_ =	swait.ge @!p0 [sflag:s0], s1  }
0xb1: {  	s1 =	ssub.s32 @!p0 $0x0, s1;
	[sflag:s0] =	ssyncset.done @!p0 $0x0  }
0xb2: {  	[sflag:s0] =	ssyncadd.s32 @!p0 s1  }
0xb3: {  	[bflag:$0x3] =	sbarrier.arrive $0xFFFF  }
0xb4: {  	_ =	shalt  }

// kernel: kernel.7.cloned.1.call-start
scs
__scs_entry_jumppad:
0x0: {  	(pc) =	sbr.rel $0x88, $3  }
0x1: {  	(tag) =	ssettag $0x0;
	lr =	simm.s32 $0x1  }
0x2: {  	[smem:$0x3F98] =	sst lr;
	_ =	strace $0xD0000000  }
0x3: {  	_ = 	snop  }
0x4: {  	_ = 	snop  }
0x5: {  	_ = 	snop  }
0x6: {  	_ = 	snop  }
0x7: {  	_ = 	snop  }
__scs_overlays_trampoline_lowered:
0x8: {  	[smem:$0x3FA7] =	sst s0  }
0x9: {  	[smem:$0x3FA8] =	sst s1  }
0xa: {  	[smem:$0x3FA9] =	sst s2  }
0xb: {  	[smem:$0x3FAA] =	sst s3  }
0xc: {  	[smem:$0x3FAB] =	sst s4  }
0xd: {  	[smem:$0x3FAC] =	sst s5  }
0xe: {  	[smem:$0x3FAD] =	sst s6  }
0xf: {  	[smem:$0x3FAE] =	sst s7  }
0x10: {  	[smem:$0x3FAF] =	sst s8  }
0x11: {  	[smem:$0x3FB0] =	sst s9;
	s0 =	simm.s32 @!p0 $0x0  }
0x12: {  	s1 =	sld [smem:$0x3F96];
	s0 =	simm.s32 @p0 $0x1  }
0x13: {  	[smem:$0x3FB1] =	sst s0;
	s0 =	simm.s32 @!p1 $0x0  }
0x14: {  	s2 =	sld [smem:$0x3F95];
	s0 =	simm.s32 @p1 $0x1  }
0x15: {  	[smem:$0x3FB2] =	sst s0;
	s0 =	simm.s32 @!p2 $0x0  }
0x16: {  	s3 =	sld [smem:$0x3FDB];
	s0 =	simm.s32 @p2 $0x1  }
0x17: {  	s4 =	simm.s32 $0x1BF5;
	[smem:$0x3FB4] =	sst s0  }
0x18: {  	s0 =	sld [smem:$0x3F97];
	_ =	swait.ge [sflag:s4], $0x0  }
0x19: {  	s7 =	sld [smem:$0x3F98]  }
0x1a: {  	s8 =	sadd.s32 $0xFFFFE003, lr  }
0x1b: {  	s9 =	sadd.s32 $0xFFFFFEF7, lr;
	s5 =	simm.s32 $0xFFFFFFFF;
	p2 =	slt.u32 s8, $0xFFFFF086  }
0x1c: {  	p1 =	slt.u32 s9, $0xF7A;
	s5 =	simm.s32 @!p2 $0x0  }
0x1d: {  	s5 =	simm.s32 @p1 $0x1;
	p0 =	seq.s32 s7, s2  }
0x1e: {  	s7 =	smul.u32 @!p0 $0xF7A, s2;
	p2 =	seq.s32 @!p0 s5, $0x0  }
0x1f: {  	s9 =	smul.u32 $0xF7A, s1;
	s8 =	simm.s32 @!p0 $0x1BF5;
	p2 =	por !p2, p0  }
0x20: {  	[sflag:s8] =	ssyncset.s32 @!p0 $0xFFFFF086;
	s6 =	sadd.s32 @!p0 s3, s7;
	s7 =	simm.s32 @!p0 $0x108  }
0x21: {  	s3 =	sadd.s32 s3, s9;
	s6 =	sadd.s32 @!p0 $0x88, s6;
	s7 =	simm.s32 @p2 $0x1082  }
0x22: {  	[simem:s7], [sflag:s8] =	dma.local @!p0 [hbm:s6], $0xF7A  }
0x23: {  	s9 =	sor.u32 $0xD0000000, s2;
	s6 =	simm.s32 $0x108;
	_ =	swait.ge @!p0 [sflag:s8], $0x0  }
0x24: {  	s3 =	sadd.s32 $0x88, s3;
	s6 =	simm.s32 @!p1 $0x1082;
	[sflag:s4] =	ssyncset.s32 $0xFFFFF086  }
0x25: {  	[simem:s6], [sflag:s4] =	dma.local [hbm:s3], $0xF7A  }
0x26: {  	[smem:$0x3F98] =	sst s1;
	(tag) =	ssettag s2;
	_ =	strace s9  }
0x27: {  	s1 =	sld [smem:$0x3FA8]  }
0x28: {  	s2 =	sld [smem:$0x3FA9]  }
0x29: {  	s4 =	sld [smem:$0x3FAB]  }
0x2a: {  	p0 =	seq.s32 s5, $0x0;
	s5 =	sld [smem:$0x3FAC]  }
0x2b: {  	s6 =	sld [smem:$0x3FAD]  }
0x2c: {  	s7 =	sld [smem:$0x3FAE]  }
0x2d: {  	s3 =	simm.s32 $0x108;
	s8 =	sld [smem:$0x3FAF]  }
0x2e: {  	s3 =	simm.s32 @!p0 $0x1082;
	s9 =	sld [smem:$0x3FB0]  }
0x2f: {  	lr =	sadd.s32 s0, s3;
	s0 =	sld [smem:$0x3FA7]  }
0x30: {  	s3 =	sld [smem:$0x3FAA]  }
0x31: {  	[smem:$0x3FB3] =	sst s10  }
0x32: {  	s10 =	sld [smem:$0x3FB1];
	_ =	sdelay $0x3  }
0x33: {  	p0 =	seq.s32 s10, $0x1;
	s10 =	sld [smem:$0x3FB3];
	_ =	sdelay $0x3  }
0x34: {  	[smem:$0x3FB3] =	sst s10  }
0x35: {  	s10 =	sld [smem:$0x3FB2];
	_ =	sdelay $0x3  }
0x36: {  	p1 =	seq.s32 s10, $0x1;
	s10 =	sld [smem:$0x3FB3];
	_ =	sdelay $0x3  }
0x37: {  	[smem:$0x3FB3] =	sst s10  }
0x38: {  	s10 =	sld [smem:$0x3FB4]  }
0x39: {  	_ = 	snop;
	(pc) =	sbr.ind lr, $3  }
0x3a: {  	_ = 	snop  }
0x3b: {  	_ = 	snop  }
0x3c: {  	p2 =	seq.s32 s10, $0x1;
	s10 =	sld [smem:$0x3FB3]  }
0x3d: {  	_ =	shalt  }
0x3e: {  	_ =	shalt  }
0x3f: {  	_ =	shalt  }
0x40: {  	_ =	shalt  }
0x41: {  	_ =	shalt  }
0x42: {  	_ =	shalt  }
0x43: {  	_ =	shalt  }
0x44: {  	_ =	shalt  }
0x45: {  	_ =	shalt  }
0x46: {  	_ =	shalt  }
0x47: {  	_ =	shalt  }
0x48: {  	_ =	shalt  }
0x49: {  	_ =	shalt  }
0x4a: {  	_ =	shalt  }
0x4b: {  	_ =	shalt  }
0x4c: {  	_ =	shalt  }
0x4d: {  	_ =	shalt  }
0x4e: {  	_ =	shalt  }
0x4f: {  	_ =	shalt  }
0x50: {  	_ =	shalt  }
0x51: {  	_ =	shalt  }
0x52: {  	_ =	shalt  }
0x53: {  	_ =	shalt  }
0x54: {  	_ =	shalt  }
0x55: {  	_ =	shalt  }
0x56: {  	_ =	shalt  }
0x57: {  	_ =	shalt  }
0x58: {  	_ =	shalt  }
0x59: {  	_ =	shalt  }
0x5a: {  	_ =	shalt  }
0x5b: {  	_ =	shalt  }
0x5c: {  	_ =	shalt  }
0x5d: {  	_ =	shalt  }
0x5e: {  	_ =	shalt  }
0x5f: {  	_ =	shalt  }
0x60: {  	_ =	shalt  }
0x61: {  	_ =	shalt  }
0x62: {  	_ =	shalt  }
0x63: {  	_ =	shalt  }
0x64: {  	_ =	shalt  }
0x65: {  	_ =	shalt  }
0x66: {  	_ =	shalt  }
0x67: {  	_ =	shalt  }
0x68: {  	_ =	shalt  }
0x69: {  	_ =	shalt  }
0x6a: {  	_ =	shalt  }
0x6b: {  	_ =	shalt  }
0x6c: {  	_ =	shalt  }
0x6d: {  	_ =	shalt  }
0x6e: {  	_ =	shalt  }
0x6f: {  	_ =	shalt  }
0x70: {  	_ =	shalt  }
0x71: {  	_ =	shalt  }
0x72: {  	_ =	shalt  }
0x73: {  	_ =	shalt  }
0x74: {  	_ =	shalt  }
0x75: {  	_ =	shalt  }
0x76: {  	_ =	shalt  }
0x77: {  	_ =	shalt  }
0x78: {  	_ =	shalt  }
0x79: {  	_ =	shalt  }
0x7a: {  	_ =	shalt  }
0x7b: {  	_ =	shalt  }
0x7c: {  	_ =	shalt  }
0x7d: {  	_ =	shalt  }
0x7e: {  	_ =	shalt  }
0x7f: {  	_ =	shalt  }
0x80: {  	_ =	shalt  }
0x81: {  	_ =	shalt  }
0x82: {  	_ =	shalt  }
0x83: {  	_ =	shalt  }
0x84: {  	_ =	shalt  }
0x85: {  	_ =	shalt  }
0x86: {  	_ =	shalt  }
0x87: {  	_ =	shalt  }
.Lfunc_end0:
.L_simem_size_0:
called_computation_lowered:
.L_overlay_start_0:
0x88: {  	s2 =	sld [smem:$0x3FD9]  }
0x89: {  	s3 =	sld [smem:$0x3FFE];
	_ =	sdelay $0x1  }
0x8a: {  	s1 =	srdreg.scid  }
0x8b: {  	s0 =	sand.u32 $0x1, s1  }
0x8c: {  	s17 =	sshll.u32 s0, $0xA;
	s2 =	sadd.s32 s3, s2  }
0x8d: {  	s2 =	sadd.s32 s2, s17  }
0x8e: {  	[smem:$0x3FBF] =	sst s2  }
0x8f: {  	_ = 	snop  }
0x90: {  	s2 =	sld [smem:$0x3FD0];
	(tm) =	ssettm $0x1  }
0x91: {  	s18 =	sld [smem:$0x3FFB];
	_ =	sdelay $0x3  }
0x92: {  	_ =	strace s18  }
0x93: {  	s3 =	sld [smem:$0x3FFC];
	_ =	sdelay $0x3  }
0x94: {  	_ =	strace s3  }
0x95: {  	s3 =	sld [smem:$0x3FFD];
	_ =	sdelay $0x3  }
0x96: {  	_ =	strace s3  }
0x97: {  	_ =	strace $0x8FFFFFFF  }
0x98: {  	s19 =	sld [smem:$0x3FDB];
	_ =	sdelay $0x1  }
0x99: {  	s4 =	simm.s32 $_scs_section_size  }
0x9a: {  	s5 =	simm.s32 $_size__tile_overlayer_lowered;
	s6 =	simm.s32 $_tile_overlayer_lowered  }
0x9b: {  	s22 =	simm.s32 $0x1BFF;
	s21 =	sshll.u32 s6, $0x1;
	s3 =	sadd.s32 s4, s19  }
0x9c: {  	s7 =	simm.s32 $0x0;
	s20 =	sshll.u32 s5, $0x1;
	s5 =	sadd.s32 s21, s3  }
0x9d: {  	[timem:s7], [sflag:s22] =	dma.local [hbm:s5], s20  }
0x9e: {  	_ =	swait.ge [sflag:s22], s20  }
0x9f: {  	s4 =	ssub.s32 $0x0, s20;
	[sflag:s22] =	ssyncset.done $0x0  }
0xa0: {  	[sflag:s22] =	ssyncadd.s32 s4;
	_ =	sdelay $0x1  }
0xa1: {  	s23 =	simm.s32 $0x1B8B  }
0xa2: {  	_ =	swait.ge [sflag:s23], $0x1  }
0xa3: {  	[sflag:s23] =	ssyncset.done $0x0  }
0xa4: {  	s25 =	simm.s32 $0x1B8E;
	s24 =	sld [smem:$0x3FFE];
	[sflag:s23] =	ssyncadd.s32 $0xFFFFFFFF  }
0xa5: {  	s26 =	simm.s32 $execute0_lowered;
	[smem:$0x3FD2] =	sst s25  }
0xa6: {  	s5 =	sshll.u32 s26, $0x1;
	_ =	strace $0x80000046;
	[dreg:$0x1] =	wrdreg $0xFFFFFFFF  }
0xa7: {  	s28 =	simm.s32 $_size_execute0_lowered;
	s3 =	sadd.s32 s3, s5;
	[dreg:$0x0] =	wrdreg $0x0  }
0xa8: {  	s5 =	sshll.u32 s28, $0x1;
	[dreg:$0x2] =	wrdreg s3  }
0xa9: {  	[dreg:$0x3] =	wrdreg s5  }
0xaa: {  	[dreg:$0x4] =	wrdreg $0xC0  }
0xab: {  	_ =	task [dreg:s7], $0x5FFFF  }
0xac: {  	[dreg:$0x1] =	wrdreg $0xFFFFFFFF  }
0xad: {  	[dreg:$0x0] =	wrdreg $0x60  }
0xae: {  	[dreg:$0x2] =	wrdreg s2  }
0xaf: {  	[dreg:$0x3] =	wrdreg s24  }
0xb0: {  	[dreg:$0x4] =	wrdreg $0x9  }
0xb1: {  	_ =	task.clear_ibuf [dreg:s7], $0x5FFFF;
	_ =	strace $0x90000046  }
0xb2: {  	s29 =	simm.s32 $0x9;
	_ =	strace $0x80000048  }
0xb3: {  	_ =	swait.ge [sflag:s29], $0x1  }
0xb4: {  	[sflag:s29] =	ssyncadd.s32 $0xFFFFFFFF  }
0xb5: {  	_ =	strace $0x90000048  }
0xb6: {  	_ =	sfence  }
0xb7: {  	s30 =	sld [smem:$0x0];
	_ =	sdelay $0x2  }
0xb8: {  	s31 =	sshll.u32 s1, $0xD;
	s1 =	sshrl.u32 s1, $0x2  }
0xb9: {  	s3 =	sand.u32 $0x4000, s31;
	s1 =	sadd.s32 s1, s30  }
0xba: {  	s0 =	sor.u32 s3, s0;
	s1 =	sshll.u32 s1, $0x11  }
0xbb: {  	s0 =	sor.u32 s1, s0  }
0xbc: {  	s0 =	sadd.s32 $0x8F2B, s0  }
0xbd: {  	[sflag:s0] =	ssyncadd.remote.s32 $0x1  }
0xbe: {  	_ =	sfence.sel $0xFFFF  }
0xbf: {  	[dreg:$0x0] =	wrdreg $0xFFFFFFFF;
	(pc) =	sbr.abs _section_cstart, $3  }
0xc0: {  	[dreg:$0x1] =	wrdreg $0xFFFFFFFF  }
0xc1: {  	_ =	task.clear_ibuf [dreg:s7], $0x2FFFF;
	_ =	strace $0x9FFFFFFF  }
0xc2: {  	(tm) =	ssettm $0x7FFFFFFF  }
0xc3: {  	_ =	shalt  }
tec
execute0_lowered:
.L_overlay_start_1:
0x0: {  	(tag) =	ssettag $0x1  }
0x1: {  	s1 =	srdreg.scid  }
0x2: {  	s0 =	stileid.u32;
	s4 =	rddreg [dreg:$0x0]  }
0x3: {  	s6 =	rddreg [dreg:$0x1];
	s18 =	simm.s32 $0x880;
	s19 =	simm.s32 $0xC80  }
0x4: {  	s20 =	simm.s32 $0x1480;
	s21 =	simm.s32 $0x1880;
	s23 =	simm.s32 $0x2080  }
0x5: {  	s24 =	simm.s32 $0x2480;
	s25 =	simm.s32 $0x2C80;
	s26 =	simm.s32 $0x3080  }
0x6: {  	s7 =	simm.s32 $0x80;
	s9 =	simm.s32 $0x3C80;
	s1 =	sand.u32 $0x1, s1  }
0x7: {  	s10 =	simm.s32 $0x4480;
	s2 =	sshll.u32 s0, $0x8;
	s3 =	sshll.u32 s1, $0x7  }
0x8: {  	s11 =	simm.s32 $0x4880;
	s12 =	simm.s32 $0x5080;
	s3 =	sor.u32 s3, s2  }
0x9: {  	p0 =	sgt.u32 s0, $0x7;
	s5 =	sshrl.u32 s3, $0x3;
	s2 =	sadd.s32 $0xFFFFF800, s3  }
0xa: {  	s3 =	smov.u32 @p0 s2;
	s2 =	simm.s32 $0x0;
	s5 =	sadd.s32 s5, s6  }
0xb: {  	s13 =	simm.s32 $0x5480;
	[smem:$0x7FF] =	sst s2;
	s5 =	sadd.s32 $0xE00, s5  }
0xc: {  	s14 =	simm.s32 $0x5C80;
	_ =	strace $0x80000047;
	[dreg:$0x3] =	wrdreg s5  }
0xd: {  	s15 =	simm.s32 $0x6080;
	s16 =	simm.s32 $0x6880;
	[dreg:$0x5] =	wrdreg s18  }
0xe: {  	s17 =	simm.s32 $0x6C80;
	s28 =	simm.s32 $0xA880;
	[dreg:$0x6] =	wrdreg s19  }
0xf: {  	s29 =	simm.s32 $0xB080;
	s1 =	ssub.s32 $0x2, s1;
	[dreg:$0x7] =	wrdreg s20  }
0x10: {  	s30 =	simm.s32 $0xB480;
	s22 =	sshrl.u32 s1, $0x1;
	[dreg:$0x8] =	wrdreg s21  }
0x11: {  	s31 =	simm.s32 $0xBC80;
	s1 =	ssub.s32 s1, s22;
	[dreg:$0x9] =	wrdreg s23  }
0x12: {  	s22 =	simm.s32 $0x8C80;
	s3 =	sshrl.u32 s3, $0x3;
	[dreg:$0xa] =	wrdreg s24  }
0x13: {  	s3 =	smul.u32 $0x180, s3;
	s5 =	smax.u32 s1, $0x1;
	[dreg:$0xb] =	wrdreg s25  }
0x14: {  	[dreg:$0xc] =	wrdreg s26;
	s18 =	simm.s32 $0x7480;
	s19 =	simm.s32 $0x7880  }
0x15: {  	s20 =	simm.s32 $0x8080;
	s21 =	simm.s32 $0x8480;
	s23 =	simm.s32 $0x9080  }
0x16: {  	v2 =	vlaneseq.u32;
	s24 =	simm.s32 $0x9880;
	s25 =	simm.s32 $0x9C80;
	s26 =	simm.s32 $0xA480  }
0x17: {  	vm0 =	vmmov $0xffff;
	vm1 =	vmmov $0xff;
	v1 =	vshrl.u32 v2, $0x3;
	s1 =	simm.s32 $0x1;
	s3 =	sadd.s32 s4, s3;
	s4 =	sadd.s32 $0x1100, s6  }
0x18: {  	v0 =	vand.u32 $0x7, v2;
	v2 =	vor.u32 $0x8, v2;
	v1 =	vmul.u32 $0x8, v1;
	[dreg:$0x4] =	wrdreg s3;
	s3 =	sadd.s32 $0x1000, s6;
	s6 =	simm.s32 $0x2  }
.LBB2_1:
0x19: {  	s0 =	rddreg [dreg:$0x3]  }
0x1a: {  	[tilespmem:s2], [sflag:$0x2] =	stream.linear.gather [hbm4b:s0+s2], $0x80, $0x38;
	[tilespmem:$0xC080] =	vst v63  }
0x1b: {  	_ =	swait.ge [sflag:s6], $0x80  }
0x1c: {  	[sflag:s6] =	ssyncset.done $0x0  }
0x1d: {  	s8 =	rddreg [dreg:$0x4];
	[sflag:s6] =	ssyncadd.s32 $0xFFFFFF80  }
0x1e: {  	[tilespmem:s7], [sflag:$0x2] =	stream.linear.gather [hbm4b:s8+s2], $0xC000, $0x38;
	[tilespmem:$0xC080] =	vst v63  }
0x1f: {  	_ =	swait.ge [sflag:s6], $0xC000  }
0x20: {  	[sflag:s6] =	ssyncset.done $0x0  }
0x21: {  	[sflag:s6] =	ssyncadd.s32 $0xFFFF4000  }
0x22: {  	v3 =	vld [tilespmem:$0x0];
	_ =	sdelay $0x4  }
0x23: {  	v4 =	vshrl.u32 v3, $0x3  }
0x24: {  	v4 =	vmul.u32 $0x18, v4  }
0x25: {  	v3 =	vand.u32 $0x7, v3  }
0x26: {  	v3 =	vor.u32 v3, v4  }
0x27: {  	v4 =	vperm.xlane v3, v0;
	_ =	sdelay $0x1  }
0x28: {  	v4 =	vadd.s32 v1, v4;
	_ =	sdelay $0x1  }
0x29: {  	v3 =	vperm.xlane v3, v2;
	_ =	sdelay $0x1  }
0x2a: {  	v3 =	vadd.s32 v1, v3  }
0x2b: {  	[hbm4b:s3+s2] =	stream.indirect_vreg.scatter [tilespmem:s7], [sflag:$0x1], $0x80, v4, vm0, $0xb8;
	[tilespmem:$0xC080] =	vst v63  }
0x2c: {  	s0 =	rddreg [dreg:$0x5]  }
0x2d: {  	[hbm4b:s4+s2] =	stream.indirect_vreg.scatter [tilespmem:s0], [sflag:$0x1], $0x80, v4, vm1, $0xb8;
	[tilespmem:$0xC080] =	vst v63  }
0x2e: {  	s8 =	rddreg [dreg:$0x6]  }
0x2f: {  	[hbm4b:s3+s2] =	stream.indirect_vreg.scatter [tilespmem:s8], [sflag:$0x1], $0x80, v3, vm0, $0xb8;
	[tilespmem:$0xC080] =	vst v63  }
0x30: {  	s0 =	rddreg [dreg:$0x7]  }
0x31: {  	[hbm4b:s4+s2] =	stream.indirect_vreg.scatter [tilespmem:s0], [sflag:$0x1], $0x80, v3, vm1, $0xb8;
	[tilespmem:$0xC080] =	vst v63  }
0x32: {  	v3 =	vld [tilespmem:$0x10];
	_ =	sdelay $0x4  }
0x33: {  	v57 =	vshrl.u32 v3, $0x3  }
0x34: {  	v4 =	vmul.u32 $0x18, v57  }
0x35: {  	v3 =	vand.u32 $0x7, v3  }
0x36: {  	v3 =	vor.u32 v3, v4  }
0x37: {  	v4 =	vperm.xlane v3, v0;
	_ =	sdelay $0x1  }
0x38: {  	v4 =	vadd.s32 v1, v4;
	_ =	sdelay $0x1  }
0x39: {  	v3 =	vperm.xlane v3, v2;
	_ =	sdelay $0x1  }
0x3a: {  	s0 =	rddreg [dreg:$0x8];
	v3 =	vadd.s32 v1, v3  }
0x3b: {  	[hbm4b:s3+s2] =	stream.indirect_vreg.scatter [tilespmem:s0], [sflag:$0x1], $0x80, v4, vm0, $0xb8;
	[tilespmem:$0xC080] =	vst v63  }
0x3c: {  	s8 =	rddreg [dreg:$0x9]  }
0x3d: {  	[hbm4b:s4+s2] =	stream.indirect_vreg.scatter [tilespmem:s8], [sflag:$0x1], $0x80, v4, vm1, $0xb8;
	[tilespmem:$0xC080] =	vst v63  }
0x3e: {  	s0 =	rddreg [dreg:$0xa]  }
0x3f: {  	[hbm4b:s3+s2] =	stream.indirect_vreg.scatter [tilespmem:s0], [sflag:$0x1], $0x80, v3, vm0, $0xb8;
	[tilespmem:$0xC080] =	vst v63  }
0x40: {  	s8 =	rddreg [dreg:$0xb]  }
0x41: {  	[hbm4b:s4+s2] =	stream.indirect_vreg.scatter [tilespmem:s8], [sflag:$0x1], $0x80, v3, vm1, $0xb8;
	[tilespmem:$0xC080] =	vst v63  }
0x42: {  	v3 =	vld [tilespmem:$0x20];
	_ =	sdelay $0x4  }
0x43: {  	v58 =	vshrl.u32 v3, $0x3  }
0x44: {  	v4 =	vmul.u32 $0x18, v58  }
0x45: {  	v3 =	vand.u32 $0x7, v3  }
0x46: {  	v3 =	vor.u32 v3, v4  }
0x47: {  	v4 =	vperm.xlane v3, v0;
	_ =	sdelay $0x1  }
0x48: {  	v4 =	vadd.s32 v1, v4;
	_ =	sdelay $0x1  }
0x49: {  	v3 =	vperm.xlane v3, v2;
	_ =	sdelay $0x1  }
0x4a: {  	s8 =	rddreg [dreg:$0xc];
	v3 =	vadd.s32 v1, v3  }
0x4b: {  	[hbm4b:s3+s2] =	stream.indirect_vreg.scatter [tilespmem:s8], [sflag:$0x1], $0x80, v4, vm0, $0xb8;
	[tilespmem:$0xC080] =	vst v63  }
0x4c: {  	s8 =	simm.s32 $0x3880  }
0x4d: {  	[hbm4b:s4+s2] =	stream.indirect_vreg.scatter [tilespmem:s8], [sflag:$0x1], $0x80, v4, vm1, $0xb8;
	[tilespmem:$0xC080] =	vst v63  }
0x4e: {  	_ = 	snop  }
0x4f: {  	[hbm4b:s3+s2] =	stream.indirect_vreg.scatter [tilespmem:s9], [sflag:$0x1], $0x80, v3, vm0, $0xb8;
	[tilespmem:$0xC080] =	vst v63  }
0x50: {  	_ = 	snop  }
0x51: {  	[hbm4b:s4+s2] =	stream.indirect_vreg.scatter [tilespmem:s10], [sflag:$0x1], $0x80, v3, vm1, $0xb8;
	[tilespmem:$0xC080] =	vst v63  }
0x52: {  	v3 =	vld [tilespmem:$0x30];
	_ =	sdelay $0x4  }
0x53: {  	v59 =	vshrl.u32 v3, $0x3  }
0x54: {  	v4 =	vmul.u32 $0x18, v59  }
0x55: {  	v3 =	vand.u32 $0x7, v3  }
0x56: {  	v3 =	vor.u32 v3, v4  }
0x57: {  	v4 =	vperm.xlane v3, v0;
	_ =	sdelay $0x1  }
0x58: {  	v4 =	vadd.s32 v1, v4;
	_ =	sdelay $0x1  }
0x59: {  	v3 =	vperm.xlane v3, v2;
	_ =	sdelay $0x1  }
0x5a: {  	v3 =	vadd.s32 v1, v3  }
0x5b: {  	[hbm4b:s3+s2] =	stream.indirect_vreg.scatter [tilespmem:s11], [sflag:$0x1], $0x80, v4, vm0, $0xb8;
	[tilespmem:$0xC080] =	vst v63  }
0x5c: {  	_ = 	snop  }
0x5d: {  	[hbm4b:s4+s2] =	stream.indirect_vreg.scatter [tilespmem:s12], [sflag:$0x1], $0x80, v4, vm1, $0xb8;
	[tilespmem:$0xC080] =	vst v63  }
0x5e: {  	_ = 	snop  }
0x5f: {  	[hbm4b:s3+s2] =	stream.indirect_vreg.scatter [tilespmem:s13], [sflag:$0x1], $0x80, v3, vm0, $0xb8;
	[tilespmem:$0xC080] =	vst v63  }
0x60: {  	_ = 	snop  }
0x61: {  	[hbm4b:s4+s2] =	stream.indirect_vreg.scatter [tilespmem:s14], [sflag:$0x1], $0x80, v3, vm1, $0xb8;
	[tilespmem:$0xC080] =	vst v63  }
0x62: {  	v3 =	vld [tilespmem:$0x40];
	_ =	sdelay $0x4  }
0x63: {  	v60 =	vshrl.u32 v3, $0x3  }
0x64: {  	v4 =	vmul.u32 $0x18, v60  }
0x65: {  	v3 =	vand.u32 $0x7, v3  }
0x66: {  	v3 =	vor.u32 v3, v4  }
0x67: {  	v4 =	vperm.xlane v3, v0;
	_ =	sdelay $0x1  }
0x68: {  	v4 =	vadd.s32 v1, v4;
	_ =	sdelay $0x1  }
0x69: {  	v3 =	vperm.xlane v3, v2;
	_ =	sdelay $0x1  }
0x6a: {  	v3 =	vadd.s32 v1, v3  }
0x6b: {  	[hbm4b:s3+s2] =	stream.indirect_vreg.scatter [tilespmem:s15], [sflag:$0x1], $0x80, v4, vm0, $0xb8;
	[tilespmem:$0xC080] =	vst v63  }
0x6c: {  	_ = 	snop  }
0x6d: {  	[hbm4b:s4+s2] =	stream.indirect_vreg.scatter [tilespmem:s16], [sflag:$0x1], $0x80, v4, vm1, $0xb8;
	[tilespmem:$0xC080] =	vst v63  }
0x6e: {  	_ = 	snop  }
0x6f: {  	[hbm4b:s3+s2] =	stream.indirect_vreg.scatter [tilespmem:s17], [sflag:$0x1], $0x80, v3, vm0, $0xb8;
	[tilespmem:$0xC080] =	vst v63  }
0x70: {  	_ = 	snop  }
0x71: {  	[hbm4b:s4+s2] =	stream.indirect_vreg.scatter [tilespmem:s18], [sflag:$0x1], $0x80, v3, vm1, $0xb8;
	[tilespmem:$0xC080] =	vst v63  }
0x72: {  	v3 =	vld [tilespmem:$0x50];
	_ =	sdelay $0x4  }
0x73: {  	v61 =	vshrl.u32 v3, $0x3  }
0x74: {  	v4 =	vmul.u32 $0x18, v61  }
0x75: {  	v3 =	vand.u32 $0x7, v3  }
0x76: {  	v3 =	vor.u32 v3, v4  }
0x77: {  	v4 =	vperm.xlane v3, v0;
	_ =	sdelay $0x1  }
0x78: {  	v4 =	vadd.s32 v1, v4;
	_ =	sdelay $0x1  }
0x79: {  	v3 =	vperm.xlane v3, v2;
	_ =	sdelay $0x1  }
0x7a: {  	v3 =	vadd.s32 v1, v3  }
0x7b: {  	[hbm4b:s3+s2] =	stream.indirect_vreg.scatter [tilespmem:s19], [sflag:$0x1], $0x80, v4, vm0, $0xb8;
	[tilespmem:$0xC080] =	vst v63  }
0x7c: {  	_ = 	snop  }
0x7d: {  	[hbm4b:s4+s2] =	stream.indirect_vreg.scatter [tilespmem:s20], [sflag:$0x1], $0x80, v4, vm1, $0xb8;
	[tilespmem:$0xC080] =	vst v63  }
0x7e: {  	_ = 	snop  }
0x7f: {  	[hbm4b:s3+s2] =	stream.indirect_vreg.scatter [tilespmem:s21], [sflag:$0x1], $0x80, v3, vm0, $0xb8;
	[tilespmem:$0xC080] =	vst v63  }
0x80: {  	_ = 	snop  }
0x81: {  	[hbm4b:s4+s2] =	stream.indirect_vreg.scatter [tilespmem:s22], [sflag:$0x1], $0x80, v3, vm1, $0xb8;
	[tilespmem:$0xC080] =	vst v63  }
0x82: {  	v3 =	vld [tilespmem:$0x60];
	_ =	sdelay $0x4  }
0x83: {  	v62 =	vshrl.u32 v3, $0x3  }
0x84: {  	v4 =	vmul.u32 $0x18, v62  }
0x85: {  	v3 =	vand.u32 $0x7, v3  }
0x86: {  	v3 =	vor.u32 v3, v4  }
0x87: {  	v4 =	vperm.xlane v3, v0;
	_ =	sdelay $0x1  }
0x88: {  	v4 =	vadd.s32 v1, v4;
	_ =	sdelay $0x1  }
0x89: {  	v3 =	vperm.xlane v3, v2;
	_ =	sdelay $0x1  }
0x8a: {  	v3 =	vadd.s32 v1, v3  }
0x8b: {  	[hbm4b:s3+s2] =	stream.indirect_vreg.scatter [tilespmem:s23], [sflag:$0x1], $0x80, v4, vm0, $0xb8;
	[tilespmem:$0xC080] =	vst v63  }
0x8c: {  	_ = 	snop  }
0x8d: {  	[hbm4b:s4+s2] =	stream.indirect_vreg.scatter [tilespmem:s24], [sflag:$0x1], $0x80, v4, vm1, $0xb8;
	[tilespmem:$0xC080] =	vst v63  }
0x8e: {  	_ = 	snop  }
0x8f: {  	[hbm4b:s3+s2] =	stream.indirect_vreg.scatter [tilespmem:s25], [sflag:$0x1], $0x80, v3, vm0, $0xb8;
	[tilespmem:$0xC080] =	vst v63  }
0x90: {  	_ = 	snop  }
0x91: {  	[hbm4b:s4+s2] =	stream.indirect_vreg.scatter [tilespmem:s26], [sflag:$0x1], $0x80, v3, vm1, $0xb8;
	[tilespmem:$0xC080] =	vst v63  }
0x92: {  	v3 =	vld [tilespmem:$0x70];
	_ =	sdelay $0x4  }
0x93: {  	v63 =	vshrl.u32 v3, $0x3  }
0x94: {  	v4 =	vmul.u32 $0x18, v63  }
0x95: {  	v3 =	vand.u32 $0x7, v3  }
0x96: {  	v3 =	vor.u32 v3, v4  }
0x97: {  	v4 =	vperm.xlane v3, v0;
	_ =	sdelay $0x1  }
0x98: {  	v4 =	vadd.s32 v1, v4;
	_ =	sdelay $0x1  }
0x99: {  	v3 =	vperm.xlane v3, v2;
	_ =	sdelay $0x1  }
0x9a: {  	v3 =	vadd.s32 v1, v3  }
0x9b: {  	[hbm4b:s3+s2] =	stream.indirect_vreg.scatter [tilespmem:s28], [sflag:$0x1], $0x80, v4, vm0, $0xb8;
	[tilespmem:$0xC080] =	vst v63  }
0x9c: {  	_ = 	snop  }
0x9d: {  	[hbm4b:s4+s2] =	stream.indirect_vreg.scatter [tilespmem:s29], [sflag:$0x1], $0x80, v4, vm1, $0xb8;
	[tilespmem:$0xC080] =	vst v63  }
0x9e: {  	p0 =	sne.s32 s5, $0x1  }
0x9f: {  	[hbm4b:s3+s2] =	stream.indirect_vreg.scatter [tilespmem:s30], [sflag:$0x1], $0x80, v3, vm0, $0xb8;
	[tilespmem:$0xC080] =	vst v63  }
.Ltmp0:
0xa0: {  	_ = 	snop;
	(pc) =	sbr.rel @p0 .LBB2_1-.Ltmp0, $4  }
0xa1: {  	[hbm4b:s4+s2] =	stream.indirect_vreg.scatter [tilespmem:s31], [sflag:$0x1], $0x80, v3, vm1, $0xb8;
	[tilespmem:$0xC080] =	vst v63  }
0xa2: {  	_ =	swait.ge [sflag:s1], $0xC000  }
0xa3: {  	[sflag:s1] =	ssyncset.done $0x0  }
0xa4: {  	s5 =	sadd.s32 $0xFFFFFFFF, s5;
	[sflag:s1] =	ssyncadd.s32 $0xFFFF4000  }
0xa5: {  	_ =	sfence.sel $0x180000  }
0xa6: {  	[bflag:$0x0] =	sbarrier.arrive $0xFFFF  }
0xa7: {  	_ =	strace $0x90000047  }
0xa8: {  	s0 =	stileid.u32;
	[bflag:$0x2] =	sbarrier.arrive $0xFFFF  }
0xa9: {  	p0 =	sne.s32 s0, $0x0;
	s0 =	rddreg [dreg:$0x2]  }
0xaa: {  	s0 =	sadd.s32 @!p0 $0x100000, s0  }
0xab: {  	[sflag:s0] =	ssyncadd.tile.s32 @!p0 $0x1;
	_ =	shalt  }
.Lfunc_end2:
_tile_overlayer_lowered:
.L_overlay_start_2:
0xac: {  	(tag) =	ssettag $0x2  }
0xad: {  	s0 =	rddreg [dreg:$0x0];
	s2 =	stileid.u32  }
0xae: {  	s1 =	rddreg [dreg:$0x1];
	p0 =	sne.s32 s2, $0x0  }
0xaf: {  	s3 =	rddreg [dreg:$0x2];
	[bflag:$0x3] =	sbarrier.arrive $0xFFFF;
	s2 =	simm.s32 @!p0 $0x1C02  }
0xb0: {  	[timem:s3], [sflag:s2] =	dma.local @!p0 [hbm:s0], s1  }
0xb1: {  	s0 =	simm.s32 @!p0 $0x2  }
0xb2: {  	_ =	swait.ge @!p0 [sflag:s0], s1  }
0xb3: {  	s1 =	ssub.s32 @!p0 $0x0, s1;
	[sflag:s0] =	ssyncset.done @!p0 $0x0  }
0xb4: {  	[sflag:s0] =	ssyncadd.s32 @!p0 s1  }
0xb5: {  	[bflag:$0x3] =	sbarrier.arrive $0xFFFF  }
0xb6: {  	_ =	shalt  }

</sc_bundles>
